<compile_context>
chip_gen: v7x
topology: tpu7x:2x2x1
jax: 0.10.2.dev20260603
libtpu: 0.0.44.dev20260713+nightly
codegen_flags: <defaults>
</compile_context>

<pallas_src>
import jax
import jax.numpy as jnp
from jax import lax
from jax.experimental import pallas as pl
from jax.experimental.pallas import tpu as pltpu
from jax.experimental.pallas import tpu_sc as plsc

D_MODEL = 1024
SEQ = 4
PERIOD = 8
ROWS_PER_BLOCK = 512
_CHUNK = 512
_NLANE = 16


def _sc_table_body(e2_hbm, e4_hbm, e8_hbm, out_hbm, a_v, b_v, c_v, o_v, sem):
    w = lax.axis_index("s")
    j = w % PERIOD
    off = (w // PERIOD) * _CHUNK
    cp_a = pltpu.async_copy(e2_hbm.at[j % 2, pl.ds(off, _CHUNK)], a_v, sem)
    cp_b = pltpu.async_copy(e4_hbm.at[j % 4, pl.ds(off, _CHUNK)], b_v, sem)
    cp_c = pltpu.async_copy(e8_hbm.at[j, pl.ds(off, _CHUNK)], c_v, sem)
    cp_a.wait()
    cp_b.wait()
    cp_c.wait()
    for i in range(_CHUNK // _NLANE):
        sl = pl.ds(i * _NLANE, _NLANE)
        o_v[sl] = a_v[sl] + b_v[sl] + c_v[sl]
    pltpu.sync_copy(o_v, out_hbm.at[j, 0, pl.ds(off, _CHUNK)])


def _sc_table(emb2, emb4, emb8):
    k = pl.kernel(
        _sc_table_body,
        out_type=jax.ShapeDtypeStruct((PERIOD, 1, D_MODEL), jnp.float32),
        mesh=plsc.VectorSubcoreMesh(
            core_axis_name="c", subcore_axis_name="s", num_cores=1
        ),
        scratch_types=[
            pltpu.VMEM((_CHUNK,), jnp.float32),
            pltpu.VMEM((_CHUNK,), jnp.float32),
            pltpu.VMEM((_CHUNK,), jnp.float32),
            pltpu.VMEM((_CHUNK,), jnp.float32),
            pltpu.SemaphoreType.DMA,
        ],
    )
    return k(emb2, emb4, emb8)


def _tc_body(x_ref, t_ref, o_ref):
    add = jnp.tile(t_ref[...], (ROWS_PER_BLOCK // PERIOD, 1, 1))
    o_ref[...] = x_ref[...] + add


def kernel(x, emb2, emb4, emb8):
    table = _sc_table(emb2, emb4, emb8)
    L = x.shape[0]
    grid = (L // ROWS_PER_BLOCK,)
    return pl.pallas_call(
        _tc_body,
        grid=grid,
        in_specs=[
            pl.BlockSpec((ROWS_PER_BLOCK, SEQ, D_MODEL), lambda i: (i, 0, 0)),
            pl.BlockSpec((PERIOD, 1, D_MODEL), lambda i: (0, 0, 0)),
        ],
        out_specs=pl.BlockSpec((ROWS_PER_BLOCK, SEQ, D_MODEL), lambda i: (i, 0, 0)),
        out_shape=jax.ShapeDtypeStruct((L, SEQ, D_MODEL), x.dtype),
        compiler_params=pltpu.CompilerParams(
            dimension_semantics=("parallel",),
        ),
    )(x, table)

# --- scband reference (transcript-rebuilt; emitter-appended) ---
"""Pipeline reference for scband-alignment-encoding-31997506355849 (READ-ONLY COPY).

The authoritative reference and input builder live on the scoring server;
editing this copy changes nothing except your own understanding.
"""

import jax, jax.numpy as jnp
import numpy as np

D_MODEL = 1024

def setup_inputs(seed: int = 0) -> dict:
    key = jax.random.key(seed)
    k_x, k2, k4, k8 = jax.random.split(key, 4)
    x = jax.random.normal(k_x, (8192, 4, D_MODEL), dtype=jnp.float32)
    emb2 = jax.random.normal(k2, (2, D_MODEL), dtype=jnp.float32) * 0.02
    emb4 = jax.random.normal(k4, (4, D_MODEL), dtype=jnp.float32) * 0.02
    emb8 = jax.random.normal(k8, (8, D_MODEL), dtype=jnp.float32) * 0.02
    return {"x": x, "emb2": emb2, "emb4": emb4, "emb8": emb8}

def reference(x, emb2, emb4, emb8):
    L = x.shape[0]
    idx = jnp.arange(L)
    add = jnp.take(emb2, idx % 2, axis=0) + jnp.take(emb4, idx % 4, axis=0) + jnp.take(emb8, idx % 8, axis=0)
    return x + add[:, None, :]

if __name__ == "__main__":
    import jax
    _d = setup_inputs()
    print(jax.jit(kernel)(*tuple(_d.values())))

</pallas_src>

<mosaic_0001>
#map = affine_map<(d0, d1) -> (0, 0)>
#map1 = affine_map<(d0, d1) -> (0, 0, 0)>
module attributes {stable_mosaic.version = 14 : i64} {
  func.func @_sc_table_body(%arg0: i32, %arg1: i32, %arg2: memref<2x1024xf32, #tpu.memory_space<hbm>>, %arg3: memref<4x1024xf32, #tpu.memory_space<hbm>>, %arg4: memref<8x1024xf32, #tpu.memory_space<hbm>>, %arg5: memref<8x1x1024xf32, #tpu.memory_space<hbm>>, %arg6: memref<512xf32, #tpu.memory_space<vmem>>, %arg7: memref<512xf32, #tpu.memory_space<vmem>>, %arg8: memref<512xf32, #tpu.memory_space<vmem>>, %arg9: memref<512xf32, #tpu.memory_space<vmem>>, %arg10: memref<!tpu.dma_semaphore, #tpu.memory_space<semaphore_mem>>) attributes {dimension_semantics = [#tpu.dimension_semantics<core_parallel>, #tpu.dimension_semantics<subcore_parallel>], iteration_bounds = array<i64: 1, 16>, scalar_prefetch = 0 : i64, scratch_operands = 5 : i64, tpu.core_type = #tpu.core_type<sc_vector_subcore>, window_params = [{transform_indices = #map}, {transform_indices = #map}, {transform_indices = #map}, {transform_indices = #map1}]} {
    %jit3A = arith.constant 8 : i32
    %eq3A = arith.constant 0 : i32
    %eq3A_0 = arith.cmpi eq, %jit3A, %eq3A : i32
    %jit3A_1 = arith.constant 1 : i32
    %select_n3A = arith.select %eq3A_0, %jit3A_1, %jit3A : i32
    %rem3A = arith.remsi %arg1, %select_n3A : i32
    %ne3A = arith.constant 0 : i32
    %ne3A_2 = arith.cmpi ne, %rem3A, %ne3A : i32
    %lt3A = arith.constant 0 : i32
    %lt3A_3 = arith.cmpi slt, %rem3A, %lt3A : i32
    %lt3A_4 = arith.constant 0 : i32
    %lt3A_5 = arith.cmpi slt, %select_n3A, %lt3A_4 : i32
    %ne3A_6 = arith.xori %lt3A_3, %lt3A_5 : i1
    %and3A = arith.andi %ne3A_6, %ne3A_2 : i1
    %add3A = arith.addi %rem3A, %select_n3A : i32
    %select_n3A_7 = arith.select %and3A, %add3A, %rem3A : i32
    %jit3A_8 = arith.constant 8 : i32
    %div3A = arith.divsi %arg1, %jit3A_8 : i32
    %sign3A = arith.constant 0 : i32
    %sign3A_9 = arith.cmpi sgt, %arg1, %sign3A : i32
    %sign3A_10 = arith.extui %sign3A_9 : i1 to i32
    %sign3A_11 = arith.constant 0 : i32
    %sign3A_12 = arith.cmpi slt, %arg1, %sign3A_11 : i32
    %sign3A_13 = arith.extui %sign3A_12 : i1 to i32
    %sign3A_14 = arith.subi %sign3A_10, %sign3A_13 : i32
    %sign3A_15 = arith.constant 0 : i32
    %sign3A_16 = arith.cmpi sgt, %jit3A_8, %sign3A_15 : i32
    %sign3A_17 = arith.extui %sign3A_16 : i1 to i32
    %sign3A_18 = arith.constant 0 : i32
    %sign3A_19 = arith.cmpi slt, %jit3A_8, %sign3A_18 : i32
    %sign3A_20 = arith.extui %sign3A_19 : i1 to i32
    %sign3A_21 = arith.subi %sign3A_17, %sign3A_20 : i32
    %ne3A_22 = arith.cmpi ne, %sign3A_14, %sign3A_21 : i32
    %rem3A_23 = arith.remsi %arg1, %jit3A_8 : i32
    %ne3A_24 = arith.constant 0 : i32
    %ne3A_25 = arith.cmpi ne, %rem3A_23, %ne3A_24 : i32
    %and3A_26 = arith.andi %ne3A_22, %ne3A_25 : i1
    %sub3A = arith.constant 1 : i32
    %sub3A_27 = arith.subi %div3A, %sub3A : i32
    %select_n3A_28 = arith.select %and3A_26, %sub3A_27, %div3A : i32
    %mul3A = arith.constant 512 : i32
    %mul3A_29 = arith.muli %select_n3A_28, %mul3A : i32
    %jit3A_30 = arith.constant 2 : i32
    %eq3A_31 = arith.constant 0 : i32
    %eq3A_32 = arith.cmpi eq, %jit3A_30, %eq3A_31 : i32
    %jit3A_33 = arith.constant 1 : i32
    %select_n3A_34 = arith.select %eq3A_32, %jit3A_33, %jit3A_30 : i32
    %rem3A_35 = arith.remsi %select_n3A_7, %select_n3A_34 : i32
    %ne3A_36 = arith.constant 0 : i32
    %ne3A_37 = arith.cmpi ne, %rem3A_35, %ne3A_36 : i32
    %lt3A_38 = arith.constant 0 : i32
    %lt3A_39 = arith.cmpi slt, %rem3A_35, %lt3A_38 : i32
    %lt3A_40 = arith.constant 0 : i32
    %lt3A_41 = arith.cmpi slt, %select_n3A_34, %lt3A_40 : i32
    %ne3A_42 = arith.xori %lt3A_39, %lt3A_41 : i1
    %and3A_43 = arith.andi %ne3A_42, %ne3A_37 : i1
    %add3A_44 = arith.addi %rem3A_35, %select_n3A_34 : i32
    %select_n3A_45 = arith.select %and3A_43, %add3A_44, %rem3A_35 : i32
    %dma_start3A = tpu.memref_slice %arg2[%select_n3A_45, %mul3A_29] : memref<2x1024xf32, #tpu.memory_space<hbm>> -> memref<1x512xf32, #tpu.memory_space<hbm>>
    %dma_start3A_46 = tpu.memref_squeeze %dma_start3A : memref<1x512xf32, #tpu.memory_space<hbm>> -> memref<512xf32, #tpu.memory_space<hbm>>
    %dma_start3A_47 = tpu.memref_slice %arg2[%select_n3A_45, %mul3A_29] : memref<2x1024xf32, #tpu.memory_space<hbm>> -> memref<1x512xf32, #tpu.memory_space<hbm>>
    %dma_start3A_48 = tpu.memref_squeeze %dma_start3A_47 : memref<1x512xf32, #tpu.memory_space<hbm>> -> memref<512xf32, #tpu.memory_space<hbm>>
    tpu.enqueue_dma source(%dma_start3A_48 : memref<512xf32, #tpu.memory_space<hbm>>) target(%arg6 : memref<512xf32, #tpu.memory_space<vmem>>) target_semaphore(%arg10 : memref<!tpu.dma_semaphore, #tpu.memory_space<semaphore_mem>>)
    %jit3A_49 = arith.constant 4 : i32
    %eq3A_50 = arith.constant 0 : i32
    %eq3A_51 = arith.cmpi eq, %jit3A_49, %eq3A_50 : i32
    %jit3A_52 = arith.constant 1 : i32
    %select_n3A_53 = arith.select %eq3A_51, %jit3A_52, %jit3A_49 : i32
    %rem3A_54 = arith.remsi %select_n3A_7, %select_n3A_53 : i32
    %ne3A_55 = arith.constant 0 : i32
    %ne3A_56 = arith.cmpi ne, %rem3A_54, %ne3A_55 : i32
    %lt3A_57 = arith.constant 0 : i32
    %lt3A_58 = arith.cmpi slt, %rem3A_54, %lt3A_57 : i32
    %lt3A_59 = arith.constant 0 : i32
    %lt3A_60 = arith.cmpi slt, %select_n3A_53, %lt3A_59 : i32
    %ne3A_61 = arith.xori %lt3A_58, %lt3A_60 : i1
    %and3A_62 = arith.andi %ne3A_61, %ne3A_56 : i1
    %add3A_63 = arith.addi %rem3A_54, %select_n3A_53 : i32
    %select_n3A_64 = arith.select %and3A_62, %add3A_63, %rem3A_54 : i32
    %dma_start3A_65 = tpu.memref_slice %arg3[%select_n3A_64, %mul3A_29] : memref<4x1024xf32, #tpu.memory_space<hbm>> -> memref<1x512xf32, #tpu.memory_space<hbm>>
    %dma_start3A_66 = tpu.memref_squeeze %dma_start3A_65 : memref<1x512xf32, #tpu.memory_space<hbm>> -> memref<512xf32, #tpu.memory_space<hbm>>
    %dma_start3A_67 = tpu.memref_slice %arg3[%select_n3A_64, %mul3A_29] : memref<4x1024xf32, #tpu.memory_space<hbm>> -> memref<1x512xf32, #tpu.memory_space<hbm>>
    %dma_start3A_68 = tpu.memref_squeeze %dma_start3A_67 : memref<1x512xf32, #tpu.memory_space<hbm>> -> memref<512xf32, #tpu.memory_space<hbm>>
    tpu.enqueue_dma source(%dma_start3A_68 : memref<512xf32, #tpu.memory_space<hbm>>) target(%arg7 : memref<512xf32, #tpu.memory_space<vmem>>) target_semaphore(%arg10 : memref<!tpu.dma_semaphore, #tpu.memory_space<semaphore_mem>>)
    %dma_start3A_69 = tpu.memref_slice %arg4[%select_n3A_7, %mul3A_29] : memref<8x1024xf32, #tpu.memory_space<hbm>> -> memref<1x512xf32, #tpu.memory_space<hbm>>
    %dma_start3A_70 = tpu.memref_squeeze %dma_start3A_69 : memref<1x512xf32, #tpu.memory_space<hbm>> -> memref<512xf32, #tpu.memory_space<hbm>>
    %dma_start3A_71 = tpu.memref_slice %arg4[%select_n3A_7, %mul3A_29] : memref<8x1024xf32, #tpu.memory_space<hbm>> -> memref<1x512xf32, #tpu.memory_space<hbm>>
    %dma_start3A_72 = tpu.memref_squeeze %dma_start3A_71 : memref<1x512xf32, #tpu.memory_space<hbm>> -> memref<512xf32, #tpu.memory_space<hbm>>
    tpu.enqueue_dma source(%dma_start3A_72 : memref<512xf32, #tpu.memory_space<hbm>>) target(%arg8 : memref<512xf32, #tpu.memory_space<vmem>>) target_semaphore(%arg10 : memref<!tpu.dma_semaphore, #tpu.memory_space<semaphore_mem>>)
    %dma_wait3A = tpu.memref_slice %arg2[%select_n3A_45, %mul3A_29] : memref<2x1024xf32, #tpu.memory_space<hbm>> -> memref<1x512xf32, #tpu.memory_space<hbm>>
    %dma_wait3A_73 = tpu.memref_squeeze %dma_wait3A : memref<1x512xf32, #tpu.memory_space<hbm>> -> memref<512xf32, #tpu.memory_space<hbm>>
    %dma_wait3A_74 = tpu.memref_slice %arg2[%select_n3A_45, %mul3A_29] : memref<2x1024xf32, #tpu.memory_space<hbm>> -> memref<1x512xf32, #tpu.memory_space<hbm>>
    %dma_wait3A_75 = tpu.memref_squeeze %dma_wait3A_74 : memref<1x512xf32, #tpu.memory_space<hbm>> -> memref<512xf32, #tpu.memory_space<hbm>>
    tpu.wait_dma2 semaphore(%arg10 : memref<!tpu.dma_semaphore, #tpu.memory_space<semaphore_mem>>) src(%dma_wait3A_75 : memref<512xf32, #tpu.memory_space<hbm>>) dst(%arg6 : memref<512xf32, #tpu.memory_space<vmem>>)
    %dma_wait3A_76 = tpu.memref_slice %arg3[%select_n3A_64, %mul3A_29] : memref<4x1024xf32, #tpu.memory_space<hbm>> -> memref<1x512xf32, #tpu.memory_space<hbm>>
    %dma_wait3A_77 = tpu.memref_squeeze %dma_wait3A_76 : memref<1x512xf32, #tpu.memory_space<hbm>> -> memref<512xf32, #tpu.memory_space<hbm>>
    %dma_wait3A_78 = tpu.memref_slice %arg3[%select_n3A_64, %mul3A_29] : memref<4x1024xf32, #tpu.memory_space<hbm>> -> memref<1x512xf32, #tpu.memory_space<hbm>>
    %dma_wait3A_79 = tpu.memref_squeeze %dma_wait3A_78 : memref<1x512xf32, #tpu.memory_space<hbm>> -> memref<512xf32, #tpu.memory_space<hbm>>
    tpu.wait_dma2 semaphore(%arg10 : memref<!tpu.dma_semaphore, #tpu.memory_space<semaphore_mem>>) src(%dma_wait3A_79 : memref<512xf32, #tpu.memory_space<hbm>>) dst(%arg7 : memref<512xf32, #tpu.memory_space<vmem>>)
    %dma_wait3A_80 = tpu.memref_slice %arg4[%select_n3A_7, %mul3A_29] : memref<8x1024xf32, #tpu.memory_space<hbm>> -> memref<1x512xf32, #tpu.memory_space<hbm>>
    %dma_wait3A_81 = tpu.memref_squeeze %dma_wait3A_80 : memref<1x512xf32, #tpu.memory_space<hbm>> -> memref<512xf32, #tpu.memory_space<hbm>>
    %dma_wait3A_82 = tpu.memref_slice %arg4[%select_n3A_7, %mul3A_29] : memref<8x1024xf32, #tpu.memory_space<hbm>> -> memref<1x512xf32, #tpu.memory_space<hbm>>
    %dma_wait3A_83 = tpu.memref_squeeze %dma_wait3A_82 : memref<1x512xf32, #tpu.memory_space<hbm>> -> memref<512xf32, #tpu.memory_space<hbm>>
    tpu.wait_dma2 semaphore(%arg10 : memref<!tpu.dma_semaphore, #tpu.memory_space<semaphore_mem>>) src(%dma_wait3A_83 : memref<512xf32, #tpu.memory_space<hbm>>) dst(%arg8 : memref<512xf32, #tpu.memory_space<vmem>>)
    %get3A = arith.constant 0 : index
    %get3A_84 = tpu.vector_load %arg6[%get3A] {strides = array<i32>} : memref<512xf32, #tpu.memory_space<vmem>>, vector<16xf32>,
    %get3A_85 = vector.shape_cast %get3A_84 : vector<16xf32> to vector<16xf32>
    %get3A_86 = arith.constant 0 : index
    %get3A_87 = tpu.vector_load %arg7[%get3A_86] {strides = array<i32>} : memref<512xf32, #tpu.memory_space<vmem>>, vector<16xf32>,
    %get3A_88 = vector.shape_cast %get3A_87 : vector<16xf32> to vector<16xf32>
    %add3A_89 = arith.addf %get3A_85, %get3A_88 : vector<16xf32>
    %get3A_90 = arith.constant 0 : index
    %get3A_91 = tpu.vector_load %arg8[%get3A_90] {strides = array<i32>} : memref<512xf32, #tpu.memory_space<vmem>>, vector<16xf32>,
    %get3A_92 = vector.shape_cast %get3A_91 : vector<16xf32> to vector<16xf32>
    %add3A_93 = arith.addf %add3A_89, %get3A_92 : vector<16xf32>
    %swap3A = arith.constant 0 : index
    %swap3A_94 = tpu.vector_load %arg9[%swap3A] {strides = array<i32>} : memref<512xf32, #tpu.memory_space<vmem>>, vector<16xf32>,
    %swap3A_95 = vector.shape_cast %swap3A_94 : vector<16xf32> to vector<16xf32>
    %swap3A_96 = vector.shape_cast %add3A_93 : vector<16xf32> to vector<16xf32>
    tpu.vector_store %arg9[%swap3A], %swap3A_96 {strides = array<i32>} : memref<512xf32, #tpu.memory_space<vmem>>, vector<16xf32>,
    %get3A_97 = arith.constant 16 : index
    %get3A_98 = tpu.vector_load %arg6[%get3A_97] {strides = array<i32>} : memref<512xf32, #tpu.memory_space<vmem>>, vector<16xf32>,
    %get3A_99 = vector.shape_cast %get3A_98 : vector<16xf32> to vector<16xf32>
    %get3A_100 = arith.constant 16 : index
    %get3A_101 = tpu.vector_load %arg7[%get3A_100] {strides = array<i32>} : memref<512xf32, #tpu.memory_space<vmem>>, vector<16xf32>,
    %get3A_102 = vector.shape_cast %get3A_101 : vector<16xf32> to vector<16xf32>
    %add3A_103 = arith.addf %get3A_99, %get3A_102 : vector<16xf32>
    %get3A_104 = arith.constant 16 : index
    %get3A_105 = tpu.vector_load %arg8[%get3A_104] {strides = array<i32>} : memref<512xf32, #tpu.memory_space<vmem>>, vector<16xf32>,
    %get3A_106 = vector.shape_cast %get3A_105 : vector<16xf32> to vector<16xf32>
    %add3A_107 = arith.addf %add3A_103, %get3A_106 : vector<16xf32>
    %swap3A_108 = arith.constant 16 : index
    %swap3A_109 = tpu.vector_load %arg9[%swap3A_108] {strides = array<i32>} : memref<512xf32, #tpu.memory_space<vmem>>, vector<16xf32>,
    %swap3A_110 = vector.shape_cast %swap3A_109 : vector<16xf32> to vector<16xf32>
    %swap3A_111 = vector.shape_cast %add3A_107 : vector<16xf32> to vector<16xf32>
    tpu.vector_store %arg9[%swap3A_108], %swap3A_111 {strides = array<i32>} : memref<512xf32, #tpu.memory_space<vmem>>, vector<16xf32>,
    %get3A_112 = arith.constant 32 : index
    %get3A_113 = tpu.vector_load %arg6[%get3A_112] {strides = array<i32>} : memref<512xf32, #tpu.memory_space<vmem>>, vector<16xf32>,
    %get3A_114 = vector.shape_cast %get3A_113 : vector<16xf32> to vector<16xf32>
    %get3A_115 = arith.constant 32 : index
    %get3A_116 = tpu.vector_load %arg7[%get3A_115] {strides = array<i32>} : memref<512xf32, #tpu.memory_space<vmem>>, vector<16xf32>,
    %get3A_117 = vector.shape_cast %get3A_116 : vector<16xf32> to vector<16xf32>
    %add3A_118 = arith.addf %get3A_114, %get3A_117 : vector<16xf32>
    %get3A_119 = arith.constant 32 : index
    %get3A_120 = tpu.vector_load %arg8[%get3A_119] {strides = array<i32>} : memref<512xf32, #tpu.memory_space<vmem>>, vector<16xf32>,
    %get3A_121 = vector.shape_cast %get3A_120 : vector<16xf32> to vector<16xf32>
    %add3A_122 = arith.addf %add3A_118, %get3A_121 : vector<16xf32>
    %swap3A_123 = arith.constant 32 : index
    %swap3A_124 = tpu.vector_load %arg9[%swap3A_123] {strides = array<i32>} : memref<512xf32, #tpu.memory_space<vmem>>, vector<16xf32>,
    %swap3A_125 = vector.shape_cast %swap3A_124 : vector<16xf32> to vector<16xf32>
    %swap3A_126 = vector.shape_cast %add3A_122 : vector<16xf32> to vector<16xf32>
    tpu.vector_store %arg9[%swap3A_123], %swap3A_126 {strides = array<i32>} : memref<512xf32, #tpu.memory_space<vmem>>, vector<16xf32>,
    %get3A_127 = arith.constant 48 : index
    %get3A_128 = tpu.vector_load %arg6[%get3A_127] {strides = array<i32>} : memref<512xf32, #tpu.memory_space<vmem>>, vector<16xf32>,
    %get3A_129 = vector.shape_cast %get3A_128 : vector<16xf32> to vector<16xf32>
    %get3A_130 = arith.constant 48 : index
    %get3A_131 = tpu.vector_load %arg7[%get3A_130] {strides = array<i32>} : memref<512xf32, #tpu.memory_space<vmem>>, vector<16xf32>,
    %get3A_132 = vector.shape_cast %get3A_131 : vector<16xf32> to vector<16xf32>
    %add3A_133 = arith.addf %get3A_129, %get3A_132 : vector<16xf32>
    %get3A_134 = arith.constant 48 : index
    %get3A_135 = tpu.vector_load %arg8[%get3A_134] {strides = array<i32>} : memref<512xf32, #tpu.memory_space<vmem>>, vector<16xf32>,
    %get3A_136 = vector.shape_cast %get3A_135 : vector<16xf32> to vector<16xf32>
    %add3A_137 = arith.addf %add3A_133, %get3A_136 : vector<16xf32>
    %swap3A_138 = arith.constant 48 : index
    %swap3A_139 = tpu.vector_load %arg9[%swap3A_138] {strides = array<i32>} : memref<512xf32, #tpu.memory_space<vmem>>, vector<16xf32>,
    %swap3A_140 = vector.shape_cast %swap3A_139 : vector<16xf32> to vector<16xf32>
    %swap3A_141 = vector.shape_cast %add3A_137 : vector<16xf32> to vector<16xf32>
    tpu.vector_store %arg9[%swap3A_138], %swap3A_141 {strides = array<i32>} : memref<512xf32, #tpu.memory_space<vmem>>, vector<16xf32>,
    %get3A_142 = arith.constant 64 : index
    %get3A_143 = tpu.vector_load %arg6[%get3A_142] {strides = array<i32>} : memref<512xf32, #tpu.memory_space<vmem>>, vector<16xf32>,
    %get3A_144 = vector.shape_cast %get3A_143 : vector<16xf32> to vector<16xf32>
    %get3A_145 = arith.constant 64 : index
    %get3A_146 = tpu.vector_load %arg7[%get3A_145] {strides = array<i32>} : memref<512xf32, #tpu.memory_space<vmem>>, vector<16xf32>,
    %get3A_147 = vector.shape_cast %get3A_146 : vector<16xf32> to vector<16xf32>
    %add3A_148 = arith.addf %get3A_144, %get3A_147 : vector<16xf32>
    %get3A_149 = arith.constant 64 : index
    %get3A_150 = tpu.vector_load %arg8[%get3A_149] {strides = array<i32>} : memref<512xf32, #tpu.memory_space<vmem>>, vector<16xf32>,
    %get3A_151 = vector.shape_cast %get3A_150 : vector<16xf32> to vector<16xf32>
    %add3A_152 = arith.addf %add3A_148, %get3A_151 : vector<16xf32>
    %swap3A_153 = arith.constant 64 : index
    %swap3A_154 = tpu.vector_load %arg9[%swap3A_153] {strides = array<i32>} : memref<512xf32, #tpu.memory_space<vmem>>, vector<16xf32>,
    %swap3A_155 = vector.shape_cast %swap3A_154 : vector<16xf32> to vector<16xf32>
    %swap3A_156 = vector.shape_cast %add3A_152 : vector<16xf32> to vector<16xf32>
    tpu.vector_store %arg9[%swap3A_153], %swap3A_156 {strides = array<i32>} : memref<512xf32, #tpu.memory_space<vmem>>, vector<16xf32>,
    %get3A_157 = arith.constant 80 : index
    %get3A_158 = tpu.vector_load %arg6[%get3A_157] {strides = array<i32>} : memref<512xf32, #tpu.memory_space<vmem>>, vector<16xf32>,
    %get3A_159 = vector.shape_cast %get3A_158 : vector<16xf32> to vector<16xf32>
    %get3A_160 = arith.constant 80 : index
    %get3A_161 = tpu.vector_load %arg7[%get3A_160] {strides = array<i32>} : memref<512xf32, #tpu.memory_space<vmem>>, vector<16xf32>,
    %get3A_162 = vector.shape_cast %get3A_161 : vector<16xf32> to vector<16xf32>
    %add3A_163 = arith.addf %get3A_159, %get3A_162 : vector<16xf32>
    %get3A_164 = arith.constant 80 : index
    %get3A_165 = tpu.vector_load %arg8[%get3A_164] {strides = array<i32>} : memref<512xf32, #tpu.memory_space<vmem>>, vector<16xf32>,
    %get3A_166 = vector.shape_cast %get3A_165 : vector<16xf32> to vector<16xf32>
    %add3A_167 = arith.addf %add3A_163, %get3A_166 : vector<16xf32>
    %swap3A_168 = arith.constant 80 : index
    %swap3A_169 = tpu.vector_load %arg9[%swap3A_168] {strides = array<i32>} : memref<512xf32, #tpu.memory_space<vmem>>, vector<16xf32>,
    %swap3A_170 = vector.shape_cast %swap3A_169 : vector<16xf32> to vector<16xf32>
    %swap3A_171 = vector.shape_cast %add3A_167 : vector<16xf32> to vector<16xf32>
    tpu.vector_store %arg9[%swap3A_168], %swap3A_171 {strides = array<i32>} : memref<512xf32, #tpu.memory_space<vmem>>, vector<16xf32>,
    %get3A_172 = arith.constant 96 : index
    %get3A_173 = tpu.vector_load %arg6[%get3A_172] {strides = array<i32>} : memref<512xf32, #tpu.memory_space<vmem>>, vector<16xf32>,
    %get3A_174 = vector.shape_cast %get3A_173 : vector<16xf32> to vector<16xf32>
    %get3A_175 = arith.constant 96 : index
    %get3A_176 = tpu.vector_load %arg7[%get3A_175] {strides = array<i32>} : memref<512xf32, #tpu.memory_space<vmem>>, vector<16xf32>,
    %get3A_177 = vector.shape_cast %get3A_176 : vector<16xf32> to vector<16xf32>
    %add3A_178 = arith.addf %get3A_174, %get3A_177 : vector<16xf32>
    %get3A_179 = arith.constant 96 : index
    %get3A_180 = tpu.vector_load %arg8[%get3A_179] {strides = array<i32>} : memref<512xf32, #tpu.memory_space<vmem>>, vector<16xf32>,
    %get3A_181 = vector.shape_cast %get3A_180 : vector<16xf32> to vector<16xf32>
    %add3A_182 = arith.addf %add3A_178, %get3A_181 : vector<16xf32>
    %swap3A_183 = arith.constant 96 : index
    %swap3A_184 = tpu.vector_load %arg9[%swap3A_183] {strides = array<i32>} : memref<512xf32, #tpu.memory_space<vmem>>, vector<16xf32>,
    %swap3A_185 = vector.shape_cast %swap3A_184 : vector<16xf32> to vector<16xf32>
    %swap3A_186 = vector.shape_cast %add3A_182 : vector<16xf32> to vector<16xf32>
    tpu.vector_store %arg9[%swap3A_183], %swap3A_186 {strides = array<i32>} : memref<512xf32, #tpu.memory_space<vmem>>, vector<16xf32>,
    %get3A_187 = arith.constant 112 : index
    %get3A_188 = tpu.vector_load %arg6[%get3A_187] {strides = array<i32>} : memref<512xf32, #tpu.memory_space<vmem>>, vector<16xf32>,
    %get3A_189 = vector.shape_cast %get3A_188 : vector<16xf32> to vector<16xf32>
    %get3A_190 = arith.constant 112 : index
    %get3A_191 = tpu.vector_load %arg7[%get3A_190] {strides = array<i32>} : memref<512xf32, #tpu.memory_space<vmem>>, vector<16xf32>,
    %get3A_192 = vector.shape_cast %get3A_191 : vector<16xf32> to vector<16xf32>
    %add3A_193 = arith.addf %get3A_189, %get3A_192 : vector<16xf32>
    %get3A_194 = arith.constant 112 : index
    %get3A_195 = tpu.vector_load %arg8[%get3A_194] {strides = array<i32>} : memref<512xf32, #tpu.memory_space<vmem>>, vector<16xf32>,
    %get3A_196 = vector.shape_cast %get3A_195 : vector<16xf32> to vector<16xf32>
    %add3A_197 = arith.addf %add3A_193, %get3A_196 : vector<16xf32>
    %swap3A_198 = arith.constant 112 : index
    %swap3A_199 = tpu.vector_load %arg9[%swap3A_198] {strides = array<i32>} : memref<512xf32, #tpu.memory_space<vmem>>, vector<16xf32>,
    %swap3A_200 = vector.shape_cast %swap3A_199 : vector<16xf32> to vector<16xf32>
    %swap3A_201 = vector.shape_cast %add3A_197 : vector<16xf32> to vector<16xf32>
    tpu.vector_store %arg9[%swap3A_198], %swap3A_201 {strides = array<i32>} : memref<512xf32, #tpu.memory_space<vmem>>, vector<16xf32>,
    %get3A_202 = arith.constant 128 : index
    %get3A_203 = tpu.vector_load %arg6[%get3A_202] {strides = array<i32>} : memref<512xf32, #tpu.memory_space<vmem>>, vector<16xf32>,
    %get3A_204 = vector.shape_cast %get3A_203 : vector<16xf32> to vector<16xf32>
    %get3A_205 = arith.constant 128 : index
    %get3A_206 = tpu.vector_load %arg7[%get3A_205] {strides = array<i32>} : memref<512xf32, #tpu.memory_space<vmem>>, vector<16xf32>,
    %get3A_207 = vector.shape_cast %get3A_206 : vector<16xf32> to vector<16xf32>
    %add3A_208 = arith.addf %get3A_204, %get3A_207 : vector<16xf32>
    %get3A_209 = arith.constant 128 : index
    %get3A_210 = tpu.vector_load %arg8[%get3A_209] {strides = array<i32>} : memref<512xf32, #tpu.memory_space<vmem>>, vector<16xf32>,
    %get3A_211 = vector.shape_cast %get3A_210 : vector<16xf32> to vector<16xf32>
    %add3A_212 = arith.addf %add3A_208, %get3A_211 : vector<16xf32>
    %swap3A_213 = arith.constant 128 : index
    %swap3A_214 = tpu.vector_load %arg9[%swap3A_213] {strides = array<i32>} : memref<512xf32, #tpu.memory_space<vmem>>, vector<16xf32>,
    %swap3A_215 = vector.shape_cast %swap3A_214 : vector<16xf32> to vector<16xf32>
    %swap3A_216 = vector.shape_cast %add3A_212 : vector<16xf32> to vector<16xf32>
    tpu.vector_store %arg9[%swap3A_213], %swap3A_216 {strides = array<i32>} : memref<512xf32, #tpu.memory_space<vmem>>, vector<16xf32>,
    %get3A_217 = arith.constant 144 : index
    %get3A_218 = tpu.vector_load %arg6[%get3A_217] {strides = array<i32>} : memref<512xf32, #tpu.memory_space<vmem>>, vector<16xf32>,
    %get3A_219 = vector.shape_cast %get3A_218 : vector<16xf32> to vector<16xf32>
    %get3A_220 = arith.constant 144 : index
    %get3A_221 = tpu.vector_load %arg7[%get3A_220] {strides = array<i32>} : memref<512xf32, #tpu.memory_space<vmem>>, vector<16xf32>,
    %get3A_222 = vector.shape_cast %get3A_221 : vector<16xf32> to vector<16xf32>
    %add3A_223 = arith.addf %get3A_219, %get3A_222 : vector<16xf32>
    %get3A_224 = arith.constant 144 : index
    %get3A_225 = tpu.vector_load %arg8[%get3A_224] {strides = array<i32>} : memref<512xf32, #tpu.memory_space<vmem>>, vector<16xf32>,
    %get3A_226 = vector.shape_cast %get3A_225 : vector<16xf32> to vector<16xf32>
    %add3A_227 = arith.addf %add3A_223, %get3A_226 : vector<16xf32>
    %swap3A_228 = arith.constant 144 : index
    %swap3A_229 = tpu.vector_load %arg9[%swap3A_228] {strides = array<i32>} : memref<512xf32, #tpu.memory_space<vmem>>, vector<16xf32>,
    %swap3A_230 = vector.shape_cast %swap3A_229 : vector<16xf32> to vector<16xf32>
    %swap3A_231 = vector.shape_cast %add3A_227 : vector<16xf32> to vector<16xf32>
    tpu.vector_store %arg9[%swap3A_228], %swap3A_231 {strides = array<i32>} : memref<512xf32, #tpu.memory_space<vmem>>, vector<16xf32>,
    %get3A_232 = arith.constant 160 : index
    %get3A_233 = tpu.vector_load %arg6[%get3A_232] {strides = array<i32>} : memref<512xf32, #tpu.memory_space<vmem>>, vector<16xf32>,
    %get3A_234 = vector.shape_cast %get3A_233 : vector<16xf32> to vector<16xf32>
    %get3A_235 = arith.constant 160 : index
    %get3A_236 = tpu.vector_load %arg7[%get3A_235] {strides = array<i32>} : memref<512xf32, #tpu.memory_space<vmem>>, vector<16xf32>,
    %get3A_237 = vector.shape_cast %get3A_236 : vector<16xf32> to vector<16xf32>
    %add3A_238 = arith.addf %get3A_234, %get3A_237 : vector<16xf32>
    %get3A_239 = arith.constant 160 : index
    %get3A_240 = tpu.vector_load %arg8[%get3A_239] {strides = array<i32>} : memref<512xf32, #tpu.memory_space<vmem>>, vector<16xf32>,
    %get3A_241 = vector.shape_cast %get3A_240 : vector<16xf32> to vector<16xf32>
    %add3A_242 = arith.addf %add3A_238, %get3A_241 : vector<16xf32>
    %swap3A_243 = arith.constant 160 : index
    %swap3A_244 = tpu.vector_load %arg9[%swap3A_243] {strides = array<i32>} : memref<512xf32, #tpu.memory_space<vmem>>, vector<16xf32>,
    %swap3A_245 = vector.shape_cast %swap3A_244 : vector<16xf32> to vector<16xf32>
    %swap3A_246 = vector.shape_cast %add3A_242 : vector<16xf32> to vector<16xf32>
    tpu.vector_store %arg9[%swap3A_243], %swap3A_246 {strides = array<i32>} : memref<512xf32, #tpu.memory_space<vmem>>, vector<16xf32>,
    %get3A_247 = arith.constant 176 : index
    %get3A_248 = tpu.vector_load %arg6[%get3A_247] {strides = array<i32>} : memref<512xf32, #tpu.memory_space<vmem>>, vector<16xf32>,
    %get3A_249 = vector.shape_cast %get3A_248 : vector<16xf32> to vector<16xf32>
    %get3A_250 = arith.constant 176 : index
    %get3A_251 = tpu.vector_load %arg7[%get3A_250] {strides = array<i32>} : memref<512xf32, #tpu.memory_space<vmem>>, vector<16xf32>,
    %get3A_252 = vector.shape_cast %get3A_251 : vector<16xf32> to vector<16xf32>
    %add3A_253 = arith.addf %get3A_249, %get3A_252 : vector<16xf32>
    %get3A_254 = arith.constant 176 : index
    %get3A_255 = tpu.vector_load %arg8[%get3A_254] {strides = array<i32>} : memref<512xf32, #tpu.memory_space<vmem>>, vector<16xf32>,
    %get3A_256 = vector.shape_cast %get3A_255 : vector<16xf32> to vector<16xf32>
    %add3A_257 = arith.addf %add3A_253, %get3A_256 : vector<16xf32>
    %swap3A_258 = arith.constant 176 : index
    %swap3A_259 = tpu.vector_load %arg9[%swap3A_258] {strides = array<i32>} : memref<512xf32, #tpu.memory_space<vmem>>, vector<16xf32>,
    %swap3A_260 = vector.shape_cast %swap3A_259 : vector<16xf32> to vector<16xf32>
    %swap3A_261 = vector.shape_cast %add3A_257 : vector<16xf32> to vector<16xf32>
    tpu.vector_store %arg9[%swap3A_258], %swap3A_261 {strides = array<i32>} : memref<512xf32, #tpu.memory_space<vmem>>, vector<16xf32>,
    %get3A_262 = arith.constant 192 : index
    %get3A_263 = tpu.vector_load %arg6[%get3A_262] {strides = array<i32>} : memref<512xf32, #tpu.memory_space<vmem>>, vector<16xf32>,
    %get3A_264 = vector.shape_cast %get3A_263 : vector<16xf32> to vector<16xf32>
    %get3A_265 = arith.constant 192 : index
    %get3A_266 = tpu.vector_load %arg7[%get3A_265] {strides = array<i32>} : memref<512xf32, #tpu.memory_space<vmem>>, vector<16xf32>,
    %get3A_267 = vector.shape_cast %get3A_266 : vector<16xf32> to vector<16xf32>
    %add3A_268 = arith.addf %get3A_264, %get3A_267 : vector<16xf32>
    %get3A_269 = arith.constant 192 : index
    %get3A_270 = tpu.vector_load %arg8[%get3A_269] {strides = array<i32>} : memref<512xf32, #tpu.memory_space<vmem>>, vector<16xf32>,
    %get3A_271 = vector.shape_cast %get3A_270 : vector<16xf32> to vector<16xf32>
    %add3A_272 = arith.addf %add3A_268, %get3A_271 : vector<16xf32>
    %swap3A_273 = arith.constant 192 : index
    %swap3A_274 = tpu.vector_load %arg9[%swap3A_273] {strides = array<i32>} : memref<512xf32, #tpu.memory_space<vmem>>, vector<16xf32>,
    %swap3A_275 = vector.shape_cast %swap3A_274 : vector<16xf32> to vector<16xf32>
    %swap3A_276 = vector.shape_cast %add3A_272 : vector<16xf32> to vector<16xf32>
    tpu.vector_store %arg9[%swap3A_273], %swap3A_276 {strides = array<i32>} : memref<512xf32, #tpu.memory_space<vmem>>, vector<16xf32>,
    %get3A_277 = arith.constant 208 : index
    %get3A_278 = tpu.vector_load %arg6[%get3A_277] {strides = array<i32>} : memref<512xf32, #tpu.memory_space<vmem>>, vector<16xf32>,
    %get3A_279 = vector.shape_cast %get3A_278 : vector<16xf32> to vector<16xf32>
    %get3A_280 = arith.constant 208 : index
    %get3A_281 = tpu.vector_load %arg7[%get3A_280] {strides = array<i32>} : memref<512xf32, #tpu.memory_space<vmem>>, vector<16xf32>,
    %get3A_282 = vector.shape_cast %get3A_281 : vector<16xf32> to vector<16xf32>
    %add3A_283 = arith.addf %get3A_279, %get3A_282 : vector<16xf32>
    %get3A_284 = arith.constant 208 : index
    %get3A_285 = tpu.vector_load %arg8[%get3A_284] {strides = array<i32>} : memref<512xf32, #tpu.memory_space<vmem>>, vector<16xf32>,
    %get3A_286 = vector.shape_cast %get3A_285 : vector<16xf32> to vector<16xf32>
    %add3A_287 = arith.addf %add3A_283, %get3A_286 : vector<16xf32>
    %swap3A_288 = arith.constant 208 : index
    %swap3A_289 = tpu.vector_load %arg9[%swap3A_288] {strides = array<i32>} : memref<512xf32, #tpu.memory_space<vmem>>, vector<16xf32>,
    %swap3A_290 = vector.shape_cast %swap3A_289 : vector<16xf32> to vector<16xf32>
    %swap3A_291 = vector.shape_cast %add3A_287 : vector<16xf32> to vector<16xf32>
    tpu.vector_store %arg9[%swap3A_288], %swap3A_291 {strides = array<i32>} : memref<512xf32, #tpu.memory_space<vmem>>, vector<16xf32>,
    %get3A_292 = arith.constant 224 : index
    %get3A_293 = tpu.vector_load %arg6[%get3A_292] {strides = array<i32>} : memref<512xf32, #tpu.memory_space<vmem>>, vector<16xf32>,
    %get3A_294 = vector.shape_cast %get3A_293 : vector<16xf32> to vector<16xf32>
    %get3A_295 = arith.constant 224 : index
    %get3A_296 = tpu.vector_load %arg7[%get3A_295] {strides = array<i32>} : memref<512xf32, #tpu.memory_space<vmem>>, vector<16xf32>,
    %get3A_297 = vector.shape_cast %get3A_296 : vector<16xf32> to vector<16xf32>
    %add3A_298 = arith.addf %get3A_294, %get3A_297 : vector<16xf32>
    %get3A_299 = arith.constant 224 : index
    %get3A_300 = tpu.vector_load %arg8[%get3A_299] {strides = array<i32>} : memref<512xf32, #tpu.memory_space<vmem>>, vector<16xf32>,
    %get3A_301 = vector.shape_cast %get3A_300 : vector<16xf32> to vector<16xf32>
    %add3A_302 = arith.addf %add3A_298, %get3A_301 : vector<16xf32>
    %swap3A_303 = arith.constant 224 : index
    %swap3A_304 = tpu.vector_load %arg9[%swap3A_303] {strides = array<i32>} : memref<512xf32, #tpu.memory_space<vmem>>, vector<16xf32>,
    %swap3A_305 = vector.shape_cast %swap3A_304 : vector<16xf32> to vector<16xf32>
    %swap3A_306 = vector.shape_cast %add3A_302 : vector<16xf32> to vector<16xf32>
    tpu.vector_store %arg9[%swap3A_303], %swap3A_306 {strides = array<i32>} : memref<512xf32, #tpu.memory_space<vmem>>, vector<16xf32>,
    %get3A_307 = arith.constant 240 : index
    %get3A_308 = tpu.vector_load %arg6[%get3A_307] {strides = array<i32>} : memref<512xf32, #tpu.memory_space<vmem>>, vector<16xf32>,
    %get3A_309 = vector.shape_cast %get3A_308 : vector<16xf32> to vector<16xf32>
    %get3A_310 = arith.constant 240 : index
    %get3A_311 = tpu.vector_load %arg7[%get3A_310] {strides = array<i32>} : memref<512xf32, #tpu.memory_space<vmem>>, vector<16xf32>,
    %get3A_312 = vector.shape_cast %get3A_311 : vector<16xf32> to vector<16xf32>
    %add3A_313 = arith.addf %get3A_309, %get3A_312 : vector<16xf32>
    %get3A_314 = arith.constant 240 : index
    %get3A_315 = tpu.vector_load %arg8[%get3A_314] {strides = array<i32>} : memref<512xf32, #tpu.memory_space<vmem>>, vector<16xf32>,
    %get3A_316 = vector.shape_cast %get3A_315 : vector<16xf32> to vector<16xf32>
    %add3A_317 = arith.addf %add3A_313, %get3A_316 : vector<16xf32>
    %swap3A_318 = arith.constant 240 : index
    %swap3A_319 = tpu.vector_load %arg9[%swap3A_318] {strides = array<i32>} : memref<512xf32, #tpu.memory_space<vmem>>, vector<16xf32>,
    %swap3A_320 = vector.shape_cast %swap3A_319 : vector<16xf32> to vector<16xf32>
    %swap3A_321 = vector.shape_cast %add3A_317 : vector<16xf32> to vector<16xf32>
    tpu.vector_store %arg9[%swap3A_318], %swap3A_321 {strides = array<i32>} : memref<512xf32, #tpu.memory_space<vmem>>, vector<16xf32>,
    %get3A_322 = arith.constant 256 : index
    %get3A_323 = tpu.vector_load %arg6[%get3A_322] {strides = array<i32>} : memref<512xf32, #tpu.memory_space<vmem>>, vector<16xf32>,
    %get3A_324 = vector.shape_cast %get3A_323 : vector<16xf32> to vector<16xf32>
    %get3A_325 = arith.constant 256 : index
    %get3A_326 = tpu.vector_load %arg7[%get3A_325] {strides = array<i32>} : memref<512xf32, #tpu.memory_space<vmem>>, vector<16xf32>,
    %get3A_327 = vector.shape_cast %get3A_326 : vector<16xf32> to vector<16xf32>
    %add3A_328 = arith.addf %get3A_324, %get3A_327 : vector<16xf32>
    %get3A_329 = arith.constant 256 : index
    %get3A_330 = tpu.vector_load %arg8[%get3A_329] {strides = array<i32>} : memref<512xf32, #tpu.memory_space<vmem>>, vector<16xf32>,
    %get3A_331 = vector.shape_cast %get3A_330 : vector<16xf32> to vector<16xf32>
    %add3A_332 = arith.addf %add3A_328, %get3A_331 : vector<16xf32>
    %swap3A_333 = arith.constant 256 : index
    %swap3A_334 = tpu.vector_load %arg9[%swap3A_333] {strides = array<i32>} : memref<512xf32, #tpu.memory_space<vmem>>, vector<16xf32>,
    %swap3A_335 = vector.shape_cast %swap3A_334 : vector<16xf32> to vector<16xf32>
    %swap3A_336 = vector.shape_cast %add3A_332 : vector<16xf32> to vector<16xf32>
    tpu.vector_store %arg9[%swap3A_333], %swap3A_336 {strides = array<i32>} : memref<512xf32, #tpu.memory_space<vmem>>, vector<16xf32>,
    %get3A_337 = arith.constant 272 : index
    %get3A_338 = tpu.vector_load %arg6[%get3A_337] {strides = array<i32>} : memref<512xf32, #tpu.memory_space<vmem>>, vector<16xf32>,
    %get3A_339 = vector.shape_cast %get3A_338 : vector<16xf32> to vector<16xf32>
    %get3A_340 = arith.constant 272 : index
    %get3A_341 = tpu.vector_load %arg7[%get3A_340] {strides = array<i32>} : memref<512xf32, #tpu.memory_space<vmem>>, vector<16xf32>,
    %get3A_342 = vector.shape_cast %get3A_341 : vector<16xf32> to vector<16xf32>
    %add3A_343 = arith.addf %get3A_339, %get3A_342 : vector<16xf32>
    %get3A_344 = arith.constant 272 : index
    %get3A_345 = tpu.vector_load %arg8[%get3A_344] {strides = array<i32>} : memref<512xf32, #tpu.memory_space<vmem>>, vector<16xf32>,
    %get3A_346 = vector.shape_cast %get3A_345 : vector<16xf32> to vector<16xf32>
    %add3A_347 = arith.addf %add3A_343, %get3A_346 : vector<16xf32>
    %swap3A_348 = arith.constant 272 : index
    %swap3A_349 = tpu.vector_load %arg9[%swap3A_348] {strides = array<i32>} : memref<512xf32, #tpu.memory_space<vmem>>, vector<16xf32>,
    %swap3A_350 = vector.shape_cast %swap3A_349 : vector<16xf32> to vector<16xf32>
    %swap3A_351 = vector.shape_cast %add3A_347 : vector<16xf32> to vector<16xf32>
    tpu.vector_store %arg9[%swap3A_348], %swap3A_351 {strides = array<i32>} : memref<512xf32, #tpu.memory_space<vmem>>, vector<16xf32>,
    %get3A_352 = arith.constant 288 : index
    %get3A_353 = tpu.vector_load %arg6[%get3A_352] {strides = array<i32>} : memref<512xf32, #tpu.memory_space<vmem>>, vector<16xf32>,
    %get3A_354 = vector.shape_cast %get3A_353 : vector<16xf32> to vector<16xf32>
    %get3A_355 = arith.constant 288 : index
    %get3A_356 = tpu.vector_load %arg7[%get3A_355] {strides = array<i32>} : memref<512xf32, #tpu.memory_space<vmem>>, vector<16xf32>,
    %get3A_357 = vector.shape_cast %get3A_356 : vector<16xf32> to vector<16xf32>
    %add3A_358 = arith.addf %get3A_354, %get3A_357 : vector<16xf32>
    %get3A_359 = arith.constant 288 : index
    %get3A_360 = tpu.vector_load %arg8[%get3A_359] {strides = array<i32>} : memref<512xf32, #tpu.memory_space<vmem>>, vector<16xf32>,
    %get3A_361 = vector.shape_cast %get3A_360 : vector<16xf32> to vector<16xf32>
    %add3A_362 = arith.addf %add3A_358, %get3A_361 : vector<16xf32>
    %swap3A_363 = arith.constant 288 : index
    %swap3A_364 = tpu.vector_load %arg9[%swap3A_363] {strides = array<i32>} : memref<512xf32, #tpu.memory_space<vmem>>, vector<16xf32>,
    %swap3A_365 = vector.shape_cast %swap3A_364 : vector<16xf32> to vector<16xf32>
    %swap3A_366 = vector.shape_cast %add3A_362 : vector<16xf32> to vector<16xf32>
    tpu.vector_store %arg9[%swap3A_363], %swap3A_366 {strides = array<i32>} : memref<512xf32, #tpu.memory_space<vmem>>, vector<16xf32>,
    %get3A_367 = arith.constant 304 : index
    %get3A_368 = tpu.vector_load %arg6[%get3A_367] {strides = array<i32>} : memref<512xf32, #tpu.memory_space<vmem>>, vector<16xf32>,
    %get3A_369 = vector.shape_cast %get3A_368 : vector<16xf32> to vector<16xf32>
    %get3A_370 = arith.constant 304 : index
    %get3A_371 = tpu.vector_load %arg7[%get3A_370] {strides = array<i32>} : memref<512xf32, #tpu.memory_space<vmem>>, vector<16xf32>,
    %get3A_372 = vector.shape_cast %get3A_371 : vector<16xf32> to vector<16xf32>
    %add3A_373 = arith.addf %get3A_369, %get3A_372 : vector<16xf32>
    %get3A_374 = arith.constant 304 : index
    %get3A_375 = tpu.vector_load %arg8[%get3A_374] {strides = array<i32>} : memref<512xf32, #tpu.memory_space<vmem>>, vector<16xf32>,
    %get3A_376 = vector.shape_cast %get3A_375 : vector<16xf32> to vector<16xf32>
    %add3A_377 = arith.addf %add3A_373, %get3A_376 : vector<16xf32>
    %swap3A_378 = arith.constant 304 : index
    %swap3A_379 = tpu.vector_load %arg9[%swap3A_378] {strides = array<i32>} : memref<512xf32, #tpu.memory_space<vmem>>, vector<16xf32>,
    %swap3A_380 = vector.shape_cast %swap3A_379 : vector<16xf32> to vector<16xf32>
    %swap3A_381 = vector.shape_cast %add3A_377 : vector<16xf32> to vector<16xf32>
    tpu.vector_store %arg9[%swap3A_378], %swap3A_381 {strides = array<i32>} : memref<512xf32, #tpu.memory_space<vmem>>, vector<16xf32>,
    %get3A_382 = arith.constant 320 : index
    %get3A_383 = tpu.vector_load %arg6[%get3A_382] {strides = array<i32>} : memref<512xf32, #tpu.memory_space<vmem>>, vector<16xf32>,
    %get3A_384 = vector.shape_cast %get3A_383 : vector<16xf32> to vector<16xf32>
    %get3A_385 = arith.constant 320 : index
    %get3A_386 = tpu.vector_load %arg7[%get3A_385] {strides = array<i32>} : memref<512xf32, #tpu.memory_space<vmem>>, vector<16xf32>,
    %get3A_387 = vector.shape_cast %get3A_386 : vector<16xf32> to vector<16xf32>
    %add3A_388 = arith.addf %get3A_384, %get3A_387 : vector<16xf32>
    %get3A_389 = arith.constant 320 : index
    %get3A_390 = tpu.vector_load %arg8[%get3A_389] {strides = array<i32>} : memref<512xf32, #tpu.memory_space<vmem>>, vector<16xf32>,
    %get3A_391 = vector.shape_cast %get3A_390 : vector<16xf32> to vector<16xf32>
    %add3A_392 = arith.addf %add3A_388, %get3A_391 : vector<16xf32>
    %swap3A_393 = arith.constant 320 : index
    %swap3A_394 = tpu.vector_load %arg9[%swap3A_393] {strides = array<i32>} : memref<512xf32, #tpu.memory_space<vmem>>, vector<16xf32>,
    %swap3A_395 = vector.shape_cast %swap3A_394 : vector<16xf32> to vector<16xf32>
    %swap3A_396 = vector.shape_cast %add3A_392 : vector<16xf32> to vector<16xf32>
    tpu.vector_store %arg9[%swap3A_393], %swap3A_396 {strides = array<i32>} : memref<512xf32, #tpu.memory_space<vmem>>, vector<16xf32>,
    %get3A_397 = arith.constant 336 : index
    %get3A_398 = tpu.vector_load %arg6[%get3A_397] {strides = array<i32>} : memref<512xf32, #tpu.memory_space<vmem>>, vector<16xf32>,
    %get3A_399 = vector.shape_cast %get3A_398 : vector<16xf32> to vector<16xf32>
    %get3A_400 = arith.constant 336 : index
    %get3A_401 = tpu.vector_load %arg7[%get3A_400] {strides = array<i32>} : memref<512xf32, #tpu.memory_space<vmem>>, vector<16xf32>,
    %get3A_402 = vector.shape_cast %get3A_401 : vector<16xf32> to vector<16xf32>
    %add3A_403 = arith.addf %get3A_399, %get3A_402 : vector<16xf32>
    %get3A_404 = arith.constant 336 : index
    %get3A_405 = tpu.vector_load %arg8[%get3A_404] {strides = array<i32>} : memref<512xf32, #tpu.memory_space<vmem>>, vector<16xf32>,
    %get3A_406 = vector.shape_cast %get3A_405 : vector<16xf32> to vector<16xf32>
    %add3A_407 = arith.addf %add3A_403, %get3A_406 : vector<16xf32>
    %swap3A_408 = arith.constant 336 : index
    %swap3A_409 = tpu.vector_load %arg9[%swap3A_408] {strides = array<i32>} : memref<512xf32, #tpu.memory_space<vmem>>, vector<16xf32>,
    %swap3A_410 = vector.shape_cast %swap3A_409 : vector<16xf32> to vector<16xf32>
    %swap3A_411 = vector.shape_cast %add3A_407 : vector<16xf32> to vector<16xf32>
    tpu.vector_store %arg9[%swap3A_408], %swap3A_411 {strides = array<i32>} : memref<512xf32, #tpu.memory_space<vmem>>, vector<16xf32>,
    %get3A_412 = arith.constant 352 : index
    %get3A_413 = tpu.vector_load %arg6[%get3A_412] {strides = array<i32>} : memref<512xf32, #tpu.memory_space<vmem>>, vector<16xf32>,
    %get3A_414 = vector.shape_cast %get3A_413 : vector<16xf32> to vector<16xf32>
    %get3A_415 = arith.constant 352 : index
    %get3A_416 = tpu.vector_load %arg7[%get3A_415] {strides = array<i32>} : memref<512xf32, #tpu.memory_space<vmem>>, vector<16xf32>,
    %get3A_417 = vector.shape_cast %get3A_416 : vector<16xf32> to vector<16xf32>
    %add3A_418 = arith.addf %get3A_414, %get3A_417 : vector<16xf32>
    %get3A_419 = arith.constant 352 : index
    %get3A_420 = tpu.vector_load %arg8[%get3A_419] {strides = array<i32>} : memref<512xf32, #tpu.memory_space<vmem>>, vector<16xf32>,
    %get3A_421 = vector.shape_cast %get3A_420 : vector<16xf32> to vector<16xf32>
    %add3A_422 = arith.addf %add3A_418, %get3A_421 : vector<16xf32>
    %swap3A_423 = arith.constant 352 : index
    %swap3A_424 = tpu.vector_load %arg9[%swap3A_423] {strides = array<i32>} : memref<512xf32, #tpu.memory_space<vmem>>, vector<16xf32>,
    %swap3A_425 = vector.shape_cast %swap3A_424 : vector<16xf32> to vector<16xf32>
    %swap3A_426 = vector.shape_cast %add3A_422 : vector<16xf32> to vector<16xf32>
    tpu.vector_store %arg9[%swap3A_423], %swap3A_426 {strides = array<i32>} : memref<512xf32, #tpu.memory_space<vmem>>, vector<16xf32>,
    %get3A_427 = arith.constant 368 : index
    %get3A_428 = tpu.vector_load %arg6[%get3A_427] {strides = array<i32>} : memref<512xf32, #tpu.memory_space<vmem>>, vector<16xf32>,
    %get3A_429 = vector.shape_cast %get3A_428 : vector<16xf32> to vector<16xf32>
    %get3A_430 = arith.constant 368 : index
    %get3A_431 = tpu.vector_load %arg7[%get3A_430] {strides = array<i32>} : memref<512xf32, #tpu.memory_space<vmem>>, vector<16xf32>,
    %get3A_432 = vector.shape_cast %get3A_431 : vector<16xf32> to vector<16xf32>
    %add3A_433 = arith.addf %get3A_429, %get3A_432 : vector<16xf32>
    %get3A_434 = arith.constant 368 : index
    %get3A_435 = tpu.vector_load %arg8[%get3A_434] {strides = array<i32>} : memref<512xf32, #tpu.memory_space<vmem>>, vector<16xf32>,
    %get3A_436 = vector.shape_cast %get3A_435 : vector<16xf32> to vector<16xf32>
    %add3A_437 = arith.addf %add3A_433, %get3A_436 : vector<16xf32>
    %swap3A_438 = arith.constant 368 : index
    %swap3A_439 = tpu.vector_load %arg9[%swap3A_438] {strides = array<i32>} : memref<512xf32, #tpu.memory_space<vmem>>, vector<16xf32>,
    %swap3A_440 = vector.shape_cast %swap3A_439 : vector<16xf32> to vector<16xf32>
    %swap3A_441 = vector.shape_cast %add3A_437 : vector<16xf32> to vector<16xf32>
    tpu.vector_store %arg9[%swap3A_438], %swap3A_441 {strides = array<i32>} : memref<512xf32, #tpu.memory_space<vmem>>, vector<16xf32>,
    %get3A_442 = arith.constant 384 : index
    %get3A_443 = tpu.vector_load %arg6[%get3A_442] {strides = array<i32>} : memref<512xf32, #tpu.memory_space<vmem>>, vector<16xf32>,
    %get3A_444 = vector.shape_cast %get3A_443 : vector<16xf32> to vector<16xf32>
    %get3A_445 = arith.constant 384 : index
    %get3A_446 = tpu.vector_load %arg7[%get3A_445] {strides = array<i32>} : memref<512xf32, #tpu.memory_space<vmem>>, vector<16xf32>,
    %get3A_447 = vector.shape_cast %get3A_446 : vector<16xf32> to vector<16xf32>
    %add3A_448 = arith.addf %get3A_444, %get3A_447 : vector<16xf32>
    %get3A_449 = arith.constant 384 : index
    %get3A_450 = tpu.vector_load %arg8[%get3A_449] {strides = array<i32>} : memref<512xf32, #tpu.memory_space<vmem>>, vector<16xf32>,
    %get3A_451 = vector.shape_cast %get3A_450 : vector<16xf32> to vector<16xf32>
    %add3A_452 = arith.addf %add3A_448, %get3A_451 : vector<16xf32>
    %swap3A_453 = arith.constant 384 : index
    %swap3A_454 = tpu.vector_load %arg9[%swap3A_453] {strides = array<i32>} : memref<512xf32, #tpu.memory_space<vmem>>, vector<16xf32>,
    %swap3A_455 = vector.shape_cast %swap3A_454 : vector<16xf32> to vector<16xf32>
    %swap3A_456 = vector.shape_cast %add3A_452 : vector<16xf32> to vector<16xf32>
    tpu.vector_store %arg9[%swap3A_453], %swap3A_456 {strides = array<i32>} : memref<512xf32, #tpu.memory_space<vmem>>, vector<16xf32>,
    %get3A_457 = arith.constant 400 : index
    %get3A_458 = tpu.vector_load %arg6[%get3A_457] {strides = array<i32>} : memref<512xf32, #tpu.memory_space<vmem>>, vector<16xf32>,
    %get3A_459 = vector.shape_cast %get3A_458 : vector<16xf32> to vector<16xf32>
    %get3A_460 = arith.constant 400 : index
    %get3A_461 = tpu.vector_load %arg7[%get3A_460] {strides = array<i32>} : memref<512xf32, #tpu.memory_space<vmem>>, vector<16xf32>,
    %get3A_462 = vector.shape_cast %get3A_461 : vector<16xf32> to vector<16xf32>
    %add3A_463 = arith.addf %get3A_459, %get3A_462 : vector<16xf32>
    %get3A_464 = arith.constant 400 : index
    %get3A_465 = tpu.vector_load %arg8[%get3A_464] {strides = array<i32>} : memref<512xf32, #tpu.memory_space<vmem>>, vector<16xf32>,
    %get3A_466 = vector.shape_cast %get3A_465 : vector<16xf32> to vector<16xf32>
    %add3A_467 = arith.addf %add3A_463, %get3A_466 : vector<16xf32>
    %swap3A_468 = arith.constant 400 : index
    %swap3A_469 = tpu.vector_load %arg9[%swap3A_468] {strides = array<i32>} : memref<512xf32, #tpu.memory_space<vmem>>, vector<16xf32>,
    %swap3A_470 = vector.shape_cast %swap3A_469 : vector<16xf32> to vector<16xf32>
    %swap3A_471 = vector.shape_cast %add3A_467 : vector<16xf32> to vector<16xf32>
    tpu.vector_store %arg9[%swap3A_468], %swap3A_471 {strides = array<i32>} : memref<512xf32, #tpu.memory_space<vmem>>, vector<16xf32>,
    %get3A_472 = arith.constant 416 : index
    %get3A_473 = tpu.vector_load %arg6[%get3A_472] {strides = array<i32>} : memref<512xf32, #tpu.memory_space<vmem>>, vector<16xf32>,
    %get3A_474 = vector.shape_cast %get3A_473 : vector<16xf32> to vector<16xf32>
    %get3A_475 = arith.constant 416 : index
    %get3A_476 = tpu.vector_load %arg7[%get3A_475] {strides = array<i32>} : memref<512xf32, #tpu.memory_space<vmem>>, vector<16xf32>,
    %get3A_477 = vector.shape_cast %get3A_476 : vector<16xf32> to vector<16xf32>
    %add3A_478 = arith.addf %get3A_474, %get3A_477 : vector<16xf32>
    %get3A_479 = arith.constant 416 : index
    %get3A_480 = tpu.vector_load %arg8[%get3A_479] {strides = array<i32>} : memref<512xf32, #tpu.memory_space<vmem>>, vector<16xf32>,
    %get3A_481 = vector.shape_cast %get3A_480 : vector<16xf32> to vector<16xf32>
    %add3A_482 = arith.addf %add3A_478, %get3A_481 : vector<16xf32>
    %swap3A_483 = arith.constant 416 : index
    %swap3A_484 = tpu.vector_load %arg9[%swap3A_483] {strides = array<i32>} : memref<512xf32, #tpu.memory_space<vmem>>, vector<16xf32>,
    %swap3A_485 = vector.shape_cast %swap3A_484 : vector<16xf32> to vector<16xf32>
    %swap3A_486 = vector.shape_cast %add3A_482 : vector<16xf32> to vector<16xf32>
    tpu.vector_store %arg9[%swap3A_483], %swap3A_486 {strides = array<i32>} : memref<512xf32, #tpu.memory_space<vmem>>, vector<16xf32>,
    %get3A_487 = arith.constant 432 : index
    %get3A_488 = tpu.vector_load %arg6[%get3A_487] {strides = array<i32>} : memref<512xf32, #tpu.memory_space<vmem>>, vector<16xf32>,
    %get3A_489 = vector.shape_cast %get3A_488 : vector<16xf32> to vector<16xf32>
    %get3A_490 = arith.constant 432 : index
    %get3A_491 = tpu.vector_load %arg7[%get3A_490] {strides = array<i32>} : memref<512xf32, #tpu.memory_space<vmem>>, vector<16xf32>,
    %get3A_492 = vector.shape_cast %get3A_491 : vector<16xf32> to vector<16xf32>
    %add3A_493 = arith.addf %get3A_489, %get3A_492 : vector<16xf32>
    %get3A_494 = arith.constant 432 : index
    %get3A_495 = tpu.vector_load %arg8[%get3A_494] {strides = array<i32>} : memref<512xf32, #tpu.memory_space<vmem>>, vector<16xf32>,
    %get3A_496 = vector.shape_cast %get3A_495 : vector<16xf32> to vector<16xf32>
    %add3A_497 = arith.addf %add3A_493, %get3A_496 : vector<16xf32>
    %swap3A_498 = arith.constant 432 : index
    %swap3A_499 = tpu.vector_load %arg9[%swap3A_498] {strides = array<i32>} : memref<512xf32, #tpu.memory_space<vmem>>, vector<16xf32>,
    %swap3A_500 = vector.shape_cast %swap3A_499 : vector<16xf32> to vector<16xf32>
    %swap3A_501 = vector.shape_cast %add3A_497 : vector<16xf32> to vector<16xf32>
    tpu.vector_store %arg9[%swap3A_498], %swap3A_501 {strides = array<i32>} : memref<512xf32, #tpu.memory_space<vmem>>, vector<16xf32>,
    %get3A_502 = arith.constant 448 : index
    %get3A_503 = tpu.vector_load %arg6[%get3A_502] {strides = array<i32>} : memref<512xf32, #tpu.memory_space<vmem>>, vector<16xf32>,
    %get3A_504 = vector.shape_cast %get3A_503 : vector<16xf32> to vector<16xf32>
    %get3A_505 = arith.constant 448 : index
    %get3A_506 = tpu.vector_load %arg7[%get3A_505] {strides = array<i32>} : memref<512xf32, #tpu.memory_space<vmem>>, vector<16xf32>,
    %get3A_507 = vector.shape_cast %get3A_506 : vector<16xf32> to vector<16xf32>
    %add3A_508 = arith.addf %get3A_504, %get3A_507 : vector<16xf32>
    %get3A_509 = arith.constant 448 : index
    %get3A_510 = tpu.vector_load %arg8[%get3A_509] {strides = array<i32>} : memref<512xf32, #tpu.memory_space<vmem>>, vector<16xf32>,
    %get3A_511 = vector.shape_cast %get3A_510 : vector<16xf32> to vector<16xf32>
    %add3A_512 = arith.addf %add3A_508, %get3A_511 : vector<16xf32>
    %swap3A_513 = arith.constant 448 : index
    %swap3A_514 = tpu.vector_load %arg9[%swap3A_513] {strides = array<i32>} : memref<512xf32, #tpu.memory_space<vmem>>, vector<16xf32>,
    %swap3A_515 = vector.shape_cast %swap3A_514 : vector<16xf32> to vector<16xf32>
    %swap3A_516 = vector.shape_cast %add3A_512 : vector<16xf32> to vector<16xf32>
    tpu.vector_store %arg9[%swap3A_513], %swap3A_516 {strides = array<i32>} : memref<512xf32, #tpu.memory_space<vmem>>, vector<16xf32>,
    %get3A_517 = arith.constant 464 : index
    %get3A_518 = tpu.vector_load %arg6[%get3A_517] {strides = array<i32>} : memref<512xf32, #tpu.memory_space<vmem>>, vector<16xf32>,
    %get3A_519 = vector.shape_cast %get3A_518 : vector<16xf32> to vector<16xf32>
    %get3A_520 = arith.constant 464 : index
    %get3A_521 = tpu.vector_load %arg7[%get3A_520] {strides = array<i32>} : memref<512xf32, #tpu.memory_space<vmem>>, vector<16xf32>,
    %get3A_522 = vector.shape_cast %get3A_521 : vector<16xf32> to vector<16xf32>
    %add3A_523 = arith.addf %get3A_519, %get3A_522 : vector<16xf32>
    %get3A_524 = arith.constant 464 : index
    %get3A_525 = tpu.vector_load %arg8[%get3A_524] {strides = array<i32>} : memref<512xf32, #tpu.memory_space<vmem>>, vector<16xf32>,
    %get3A_526 = vector.shape_cast %get3A_525 : vector<16xf32> to vector<16xf32>
    %add3A_527 = arith.addf %add3A_523, %get3A_526 : vector<16xf32>
    %swap3A_528 = arith.constant 464 : index
    %swap3A_529 = tpu.vector_load %arg9[%swap3A_528] {strides = array<i32>} : memref<512xf32, #tpu.memory_space<vmem>>, vector<16xf32>,
    %swap3A_530 = vector.shape_cast %swap3A_529 : vector<16xf32> to vector<16xf32>
    %swap3A_531 = vector.shape_cast %add3A_527 : vector<16xf32> to vector<16xf32>
    tpu.vector_store %arg9[%swap3A_528], %swap3A_531 {strides = array<i32>} : memref<512xf32, #tpu.memory_space<vmem>>, vector<16xf32>,
    %get3A_532 = arith.constant 480 : index
    %get3A_533 = tpu.vector_load %arg6[%get3A_532] {strides = array<i32>} : memref<512xf32, #tpu.memory_space<vmem>>, vector<16xf32>,
    %get3A_534 = vector.shape_cast %get3A_533 : vector<16xf32> to vector<16xf32>
    %get3A_535 = arith.constant 480 : index
    %get3A_536 = tpu.vector_load %arg7[%get3A_535] {strides = array<i32>} : memref<512xf32, #tpu.memory_space<vmem>>, vector<16xf32>,
    %get3A_537 = vector.shape_cast %get3A_536 : vector<16xf32> to vector<16xf32>
    %add3A_538 = arith.addf %get3A_534, %get3A_537 : vector<16xf32>
    %get3A_539 = arith.constant 480 : index
    %get3A_540 = tpu.vector_load %arg8[%get3A_539] {strides = array<i32>} : memref<512xf32, #tpu.memory_space<vmem>>, vector<16xf32>,
    %get3A_541 = vector.shape_cast %get3A_540 : vector<16xf32> to vector<16xf32>
    %add3A_542 = arith.addf %add3A_538, %get3A_541 : vector<16xf32>
    %swap3A_543 = arith.constant 480 : index
    %swap3A_544 = tpu.vector_load %arg9[%swap3A_543] {strides = array<i32>} : memref<512xf32, #tpu.memory_space<vmem>>, vector<16xf32>,
    %swap3A_545 = vector.shape_cast %swap3A_544 : vector<16xf32> to vector<16xf32>
    %swap3A_546 = vector.shape_cast %add3A_542 : vector<16xf32> to vector<16xf32>
    tpu.vector_store %arg9[%swap3A_543], %swap3A_546 {strides = array<i32>} : memref<512xf32, #tpu.memory_space<vmem>>, vector<16xf32>,
    %get3A_547 = arith.constant 496 : index
    %get3A_548 = tpu.vector_load %arg6[%get3A_547] {strides = array<i32>} : memref<512xf32, #tpu.memory_space<vmem>>, vector<16xf32>,
    %get3A_549 = vector.shape_cast %get3A_548 : vector<16xf32> to vector<16xf32>
    %get3A_550 = arith.constant 496 : index
    %get3A_551 = tpu.vector_load %arg7[%get3A_550] {strides = array<i32>} : memref<512xf32, #tpu.memory_space<vmem>>, vector<16xf32>,
    %get3A_552 = vector.shape_cast %get3A_551 : vector<16xf32> to vector<16xf32>
    %add3A_553 = arith.addf %get3A_549, %get3A_552 : vector<16xf32>
    %get3A_554 = arith.constant 496 : index
    %get3A_555 = tpu.vector_load %arg8[%get3A_554] {strides = array<i32>} : memref<512xf32, #tpu.memory_space<vmem>>, vector<16xf32>,
    %get3A_556 = vector.shape_cast %get3A_555 : vector<16xf32> to vector<16xf32>
    %add3A_557 = arith.addf %add3A_553, %get3A_556 : vector<16xf32>
    %swap3A_558 = arith.constant 496 : index
    %swap3A_559 = tpu.vector_load %arg9[%swap3A_558] {strides = array<i32>} : memref<512xf32, #tpu.memory_space<vmem>>, vector<16xf32>,
    %swap3A_560 = vector.shape_cast %swap3A_559 : vector<16xf32> to vector<16xf32>
    %swap3A_561 = vector.shape_cast %add3A_557 : vector<16xf32> to vector<16xf32>
    tpu.vector_store %arg9[%swap3A_558], %swap3A_561 {strides = array<i32>} : memref<512xf32, #tpu.memory_space<vmem>>, vector<16xf32>,
    %run_scoped3A = arith.constant 0 : i32
    "tpu.region"() ({
      %run_scoped3A_562 = tpu.sem_alloc : memref<!tpu.dma_semaphore, #tpu.memory_space<semaphore_mem>>
      %dma_start3A_563 = tpu.memref_slice %arg5[%select_n3A_7, %run_scoped3A, %mul3A_29] : memref<8x1x1024xf32, #tpu.memory_space<hbm>> -> memref<1x1x512xf32, #tpu.memory_space<hbm>>
      %dma_start3A_564 = tpu.memref_squeeze %dma_start3A_563 : memref<1x1x512xf32, #tpu.memory_space<hbm>> -> memref<512xf32, #tpu.memory_space<hbm>>
      %dma_start3A_565 = tpu.memref_slice %arg5[%select_n3A_7, %run_scoped3A, %mul3A_29] : memref<8x1x1024xf32, #tpu.memory_space<hbm>> -> memref<1x1x512xf32, #tpu.memory_space<hbm>>
      %dma_start3A_566 = tpu.memref_squeeze %dma_start3A_565 : memref<1x1x512xf32, #tpu.memory_space<hbm>> -> memref<512xf32, #tpu.memory_space<hbm>>
      tpu.enqueue_dma source(%arg9 : memref<512xf32, #tpu.memory_space<vmem>>) target(%dma_start3A_566 : memref<512xf32, #tpu.memory_space<hbm>>) target_semaphore(%run_scoped3A_562 : memref<!tpu.dma_semaphore, #tpu.memory_space<semaphore_mem>>)
      %dma_wait3A_567 = tpu.memref_slice %arg5[%select_n3A_7, %run_scoped3A, %mul3A_29] : memref<8x1x1024xf32, #tpu.memory_space<hbm>> -> memref<1x1x512xf32, #tpu.memory_space<hbm>>
      %dma_wait3A_568 = tpu.memref_squeeze %dma_wait3A_567 : memref<1x1x512xf32, #tpu.memory_space<hbm>> -> memref<512xf32, #tpu.memory_space<hbm>>
      %dma_wait3A_569 = tpu.memref_slice %arg5[%select_n3A_7, %run_scoped3A, %mul3A_29] : memref<8x1x1024xf32, #tpu.memory_space<hbm>> -> memref<1x1x512xf32, #tpu.memory_space<hbm>>
      %dma_wait3A_570 = tpu.memref_squeeze %dma_wait3A_569 : memref<1x1x512xf32, #tpu.memory_space<hbm>> -> memref<512xf32, #tpu.memory_space<hbm>>
      tpu.wait_dma2 semaphore(%run_scoped3A_562 : memref<!tpu.dma_semaphore, #tpu.memory_space<semaphore_mem>>) src(%arg9 : memref<512xf32, #tpu.memory_space<vmem>>) dst(%dma_wait3A_570 : memref<512xf32, #tpu.memory_space<hbm>>)
      tpu.yield
    }) : () -> ()
    return
  }
}

module attributes {stable_mosaic.version = 14 : i64} {
  func.func @_tc_body(%arg0: i32, %arg1: memref<512x4x1024xf32, #tpu.memory_space<vmem>>, %arg2: memref<8x1x1024xf32, #tpu.memory_space<vmem>>, %arg3: memref<512x4x1024xf32, #tpu.memory_space<vmem>>) attributes {dimension_semantics = [#tpu.dimension_semantics<parallel>], iteration_bounds = array<i64: 16>, scalar_prefetch = 0 : i64, scratch_operands = 0 : i64, tpu.core_type = #tpu.core_type<tc>, window_params = [{transform_indices = @transform_0, window_bounds = array<i64: 512, 4, 1024>}, {pipeline_mode = #tpu.pipeline_mode<synchronous>, transform_indices = @transform_1, window_bounds = array<i64: 8, 1, 1024>}, {transform_indices = @transform_2, window_bounds = array<i64: 512, 4, 1024>}]} {
    %get3A = arith.constant 0 : index
    %get3A_0 = arith.constant 0 : index
    %get3A_1 = arith.constant 0 : index
    %get3A_2 = vector.load %arg2[%get3A, %get3A_0, %get3A_1] : memref<8x1x1024xf32, #tpu.memory_space<vmem>>, vector<8x1x1024xf32>
    %tile3A = tpu.concatenate %get3A_2, %get3A_2, %get3A_2, %get3A_2, %get3A_2, %get3A_2, %get3A_2, %get3A_2, %get3A_2, %get3A_2, %get3A_2, %get3A_2, %get3A_2, %get3A_2, %get3A_2, %get3A_2, %get3A_2, %get3A_2, %get3A_2, %get3A_2, %get3A_2, %get3A_2, %get3A_2, %get3A_2, %get3A_2, %get3A_2, %get3A_2, %get3A_2, %get3A_2, %get3A_2, %get3A_2, %get3A_2, %get3A_2, %get3A_2, %get3A_2, %get3A_2, %get3A_2, %get3A_2, %get3A_2, %get3A_2, %get3A_2, %get3A_2, %get3A_2, %get3A_2, %get3A_2, %get3A_2, %get3A_2, %get3A_2, %get3A_2, %get3A_2, %get3A_2, %get3A_2, %get3A_2, %get3A_2, %get3A_2, %get3A_2, %get3A_2, %get3A_2, %get3A_2, %get3A_2, %get3A_2, %get3A_2, %get3A_2, %get3A_2 in 0 : vector<8x1x1024xf32>, vector<8x1x1024xf32>, vector<8x1x1024xf32>, vector<8x1x1024xf32>, vector<8x1x1024xf32>, vector<8x1x1024xf32>, vector<8x1x1024xf32>, vector<8x1x1024xf32>, vector<8x1x1024xf32>, vector<8x1x1024xf32>, vector<8x1x1024xf32>, vector<8x1x1024xf32>, vector<8x1x1024xf32>, vector<8x1x1024xf32>, vector<8x1x1024xf32>, vector<8x1x1024xf32>, vector<8x1x1024xf32>, vector<8x1x1024xf32>, vector<8x1x1024xf32>, vector<8x1x1024xf32>, vector<8x1x1024xf32>, vector<8x1x1024xf32>, vector<8x1x1024xf32>, vector<8x1x1024xf32>, vector<8x1x1024xf32>, vector<8x1x1024xf32>, vector<8x1x1024xf32>, vector<8x1x1024xf32>, vector<8x1x1024xf32>, vector<8x1x1024xf32>, vector<8x1x1024xf32>, vector<8x1x1024xf32>, vector<8x1x1024xf32>, vector<8x1x1024xf32>, vector<8x1x1024xf32>, vector<8x1x1024xf32>, vector<8x1x1024xf32>, vector<8x1x1024xf32>, vector<8x1x1024xf32>, vector<8x1x1024xf32>, vector<8x1x1024xf32>, vector<8x1x1024xf32>, vector<8x1x1024xf32>, vector<8x1x1024xf32>, vector<8x1x1024xf32>, vector<8x1x1024xf32>, vector<8x1x1024xf32>, vector<8x1x1024xf32>, vector<8x1x1024xf32>, vector<8x1x1024xf32>, vector<8x1x1024xf32>, vector<8x1x1024xf32>, vector<8x1x1024xf32>, vector<8x1x1024xf32>, vector<8x1x1024xf32>, vector<8x1x1024xf32>, vector<8x1x1024xf32>, vector<8x1x1024xf32>, vector<8x1x1024xf32>, vector<8x1x1024xf32>, vector<8x1x1024xf32>, vector<8x1x1024xf32>, vector<8x1x1024xf32>, vector<8x1x1024xf32> -> vector<512x1x1024xf32>
    %get3A_3 = arith.constant 0 : index
    %get3A_4 = arith.constant 0 : index
    %get3A_5 = arith.constant 0 : index
    %get3A_6 = vector.load %arg1[%get3A_3, %get3A_4, %get3A_5] : memref<512x4x1024xf32, #tpu.memory_space<vmem>>, vector<512x4x1024xf32>
    %add3A = vector.broadcast %tile3A : vector<512x1x1024xf32> to vector<512x4x1024xf32>
    %add3A_7 = arith.addf %get3A_6, %add3A : vector<512x4x1024xf32>
    %swap3A = arith.constant 0 : index
    %swap3A_8 = arith.constant 0 : index
    %swap3A_9 = arith.constant 0 : index
    %swap3A_10 = vector.load %arg3[%swap3A, %swap3A_8, %swap3A_9] : memref<512x4x1024xf32, #tpu.memory_space<vmem>>, vector<512x4x1024xf32>
    tpu.vector_store %arg3[%swap3A, %swap3A_8, %swap3A_9], %add3A_7 {strides = array<i32>} : memref<512x4x1024xf32, #tpu.memory_space<vmem>>, vector<512x4x1024xf32>,
    return
  }
  func.func @transform_0(%arg0: i32) -> (i32, i32, i32) {
    %c0_i32 = arith.constant 0 : i32
    %c0_i32_0 = arith.constant 0 : i32
    %c0_i32_1 = arith.constant 0 : i32
    return %arg0, %c0_i32, %c0_i32_0 : i32, i32, i32
  }
  func.func @transform_1(%arg0: i32) -> (i32, i32, i32) {
    %c0_i32 = arith.constant 0 : i32
    %c0_i32_0 = arith.constant 0 : i32
    %c0_i32_1 = arith.constant 0 : i32
    %c0_i32_2 = arith.constant 0 : i32
    return %c0_i32, %c0_i32_0, %c0_i32_1 : i32, i32, i32
  }
  func.func @transform_2(%arg0: i32) -> (i32, i32, i32) {
    %c0_i32 = arith.constant 0 : i32
    %c0_i32_0 = arith.constant 0 : i32
    %c0_i32_1 = arith.constant 0 : i32
    return %arg0, %c0_i32, %c0_i32_0 : i32, i32, i32
  }
}

</mosaic_0001>

<sc_bundles>
// kernel: kernel.4.cloned.1.call-start
scs
__scs_entry_jumppad:
0x0: {  	(pc) =	sbr.rel $0x88, $3  }
0x1: {  	(tag) =	ssettag $0x0;
	lr =	simm.s32 $0x1  }
0x2: {  	[smem:$0x3F9D] =	sst lr;
	_ =	strace $0xD0000000  }
0x3: {  	_ = 	snop  }
0x4: {  	_ = 	snop  }
0x5: {  	_ = 	snop  }
0x6: {  	_ = 	snop  }
0x7: {  	_ = 	snop  }
__scs_overlays_trampoline_lowered:
0x8: {  	[smem:$0x3FAC] =	sst s0  }
0x9: {  	[smem:$0x3FAD] =	sst s1  }
0xa: {  	[smem:$0x3FAE] =	sst s2  }
0xb: {  	[smem:$0x3FAF] =	sst s3  }
0xc: {  	[smem:$0x3FB0] =	sst s4  }
0xd: {  	[smem:$0x3FB1] =	sst s5  }
0xe: {  	[smem:$0x3FB2] =	sst s6  }
0xf: {  	[smem:$0x3FB3] =	sst s7  }
0x10: {  	[smem:$0x3FB4] =	sst s8  }
0x11: {  	[smem:$0x3FB5] =	sst s9;
	s0 =	simm.s32 @!p0 $0x0  }
0x12: {  	s1 =	sld [smem:$0x3F9B];
	s0 =	simm.s32 @p0 $0x1  }
0x13: {  	[smem:$0x3FB6] =	sst s0;
	s0 =	simm.s32 @!p1 $0x0  }
0x14: {  	s2 =	sld [smem:$0x3F9A];
	s0 =	simm.s32 @p1 $0x1  }
0x15: {  	[smem:$0x3FB7] =	sst s0;
	s0 =	simm.s32 @!p2 $0x0  }
0x16: {  	s3 =	sld [smem:$0x3FDB];
	s0 =	simm.s32 @p2 $0x1  }
0x17: {  	s4 =	simm.s32 $0x1BF5;
	[smem:$0x3FB9] =	sst s0  }
0x18: {  	s0 =	sld [smem:$0x3F9C];
	_ =	swait.ge [sflag:s4], $0x0  }
0x19: {  	s7 =	sld [smem:$0x3F9D]  }
0x1a: {  	s8 =	sadd.s32 $0xFFFFE003, lr  }
0x1b: {  	s9 =	sadd.s32 $0xFFFFFEF7, lr;
	s5 =	simm.s32 $0xFFFFFFFF;
	p2 =	slt.u32 s8, $0xFFFFF086  }
0x1c: {  	p1 =	slt.u32 s9, $0xF7A;
	s5 =	simm.s32 @!p2 $0x0  }
0x1d: {  	s5 =	simm.s32 @p1 $0x1;
	p0 =	seq.s32 s7, s2  }
0x1e: {  	s7 =	smul.u32 @!p0 $0xF7A, s2;
	p2 =	seq.s32 @!p0 s5, $0x0  }
0x1f: {  	s9 =	smul.u32 $0xF7A, s1;
	s8 =	simm.s32 @!p0 $0x1BF5;
	p2 =	por !p2, p0  }
0x20: {  	[sflag:s8] =	ssyncset.s32 @!p0 $0xFFFFF086;
	s6 =	sadd.s32 @!p0 s3, s7;
	s7 =	simm.s32 @!p0 $0x108  }
0x21: {  	s3 =	sadd.s32 s3, s9;
	s6 =	sadd.s32 @!p0 $0x88, s6;
	s7 =	simm.s32 @p2 $0x1082  }
0x22: {  	[simem:s7], [sflag:s8] =	dma.local @!p0 [hbm:s6], $0xF7A  }
0x23: {  	s9 =	sor.u32 $0xD0000000, s2;
	s6 =	simm.s32 $0x108;
	_ =	swait.ge @!p0 [sflag:s8], $0x0  }
0x24: {  	s3 =	sadd.s32 $0x88, s3;
	s6 =	simm.s32 @!p1 $0x1082;
	[sflag:s4] =	ssyncset.s32 $0xFFFFF086  }
0x25: {  	[simem:s6], [sflag:s4] =	dma.local [hbm:s3], $0xF7A  }
0x26: {  	[smem:$0x3F9D] =	sst s1;
	(tag) =	ssettag s2;
	_ =	strace s9  }
0x27: {  	s1 =	sld [smem:$0x3FAD]  }
0x28: {  	s2 =	sld [smem:$0x3FAE]  }
0x29: {  	s4 =	sld [smem:$0x3FB0]  }
0x2a: {  	p0 =	seq.s32 s5, $0x0;
	s5 =	sld [smem:$0x3FB1]  }
0x2b: {  	s6 =	sld [smem:$0x3FB2]  }
0x2c: {  	s7 =	sld [smem:$0x3FB3]  }
0x2d: {  	s3 =	simm.s32 $0x108;
	s8 =	sld [smem:$0x3FB4]  }
0x2e: {  	s3 =	simm.s32 @!p0 $0x1082;
	s9 =	sld [smem:$0x3FB5]  }
0x2f: {  	lr =	sadd.s32 s0, s3;
	s0 =	sld [smem:$0x3FAC]  }
0x30: {  	s3 =	sld [smem:$0x3FAF]  }
0x31: {  	[smem:$0x3FB8] =	sst s10  }
0x32: {  	s10 =	sld [smem:$0x3FB6];
	_ =	sdelay $0x3  }
0x33: {  	p0 =	seq.s32 s10, $0x1;
	s10 =	sld [smem:$0x3FB8];
	_ =	sdelay $0x3  }
0x34: {  	[smem:$0x3FB8] =	sst s10  }
0x35: {  	s10 =	sld [smem:$0x3FB7];
	_ =	sdelay $0x3  }
0x36: {  	p1 =	seq.s32 s10, $0x1;
	s10 =	sld [smem:$0x3FB8];
	_ =	sdelay $0x3  }
0x37: {  	[smem:$0x3FB8] =	sst s10  }
0x38: {  	s10 =	sld [smem:$0x3FB9]  }
0x39: {  	_ = 	snop;
	(pc) =	sbr.ind lr, $3  }
0x3a: {  	_ = 	snop  }
0x3b: {  	_ = 	snop  }
0x3c: {  	p2 =	seq.s32 s10, $0x1;
	s10 =	sld [smem:$0x3FB8]  }
0x3d: {  	_ =	shalt  }
0x3e: {  	_ =	shalt  }
0x3f: {  	_ =	shalt  }
0x40: {  	_ =	shalt  }
0x41: {  	_ =	shalt  }
0x42: {  	_ =	shalt  }
0x43: {  	_ =	shalt  }
0x44: {  	_ =	shalt  }
0x45: {  	_ =	shalt  }
0x46: {  	_ =	shalt  }
0x47: {  	_ =	shalt  }
0x48: {  	_ =	shalt  }
0x49: {  	_ =	shalt  }
0x4a: {  	_ =	shalt  }
0x4b: {  	_ =	shalt  }
0x4c: {  	_ =	shalt  }
0x4d: {  	_ =	shalt  }
0x4e: {  	_ =	shalt  }
0x4f: {  	_ =	shalt  }
0x50: {  	_ =	shalt  }
0x51: {  	_ =	shalt  }
0x52: {  	_ =	shalt  }
0x53: {  	_ =	shalt  }
0x54: {  	_ =	shalt  }
0x55: {  	_ =	shalt  }
0x56: {  	_ =	shalt  }
0x57: {  	_ =	shalt  }
0x58: {  	_ =	shalt  }
0x59: {  	_ =	shalt  }
0x5a: {  	_ =	shalt  }
0x5b: {  	_ =	shalt  }
0x5c: {  	_ =	shalt  }
0x5d: {  	_ =	shalt  }
0x5e: {  	_ =	shalt  }
0x5f: {  	_ =	shalt  }
0x60: {  	_ =	shalt  }
0x61: {  	_ =	shalt  }
0x62: {  	_ =	shalt  }
0x63: {  	_ =	shalt  }
0x64: {  	_ =	shalt  }
0x65: {  	_ =	shalt  }
0x66: {  	_ =	shalt  }
0x67: {  	_ =	shalt  }
0x68: {  	_ =	shalt  }
0x69: {  	_ =	shalt  }
0x6a: {  	_ =	shalt  }
0x6b: {  	_ =	shalt  }
0x6c: {  	_ =	shalt  }
0x6d: {  	_ =	shalt  }
0x6e: {  	_ =	shalt  }
0x6f: {  	_ =	shalt  }
0x70: {  	_ =	shalt  }
0x71: {  	_ =	shalt  }
0x72: {  	_ =	shalt  }
0x73: {  	_ =	shalt  }
0x74: {  	_ =	shalt  }
0x75: {  	_ =	shalt  }
0x76: {  	_ =	shalt  }
0x77: {  	_ =	shalt  }
0x78: {  	_ =	shalt  }
0x79: {  	_ =	shalt  }
0x7a: {  	_ =	shalt  }
0x7b: {  	_ =	shalt  }
0x7c: {  	_ =	shalt  }
0x7d: {  	_ =	shalt  }
0x7e: {  	_ =	shalt  }
0x7f: {  	_ =	shalt  }
0x80: {  	_ =	shalt  }
0x81: {  	_ =	shalt  }
0x82: {  	_ =	shalt  }
0x83: {  	_ =	shalt  }
0x84: {  	_ =	shalt  }
0x85: {  	_ =	shalt  }
0x86: {  	_ =	shalt  }
0x87: {  	_ =	shalt  }
.Lfunc_end0:
.L_simem_size_0:
called_computation_lowered:
.L_overlay_start_0:
0x88: {  	s0 =	sld [smem:$0x3FD9]  }
0x89: {  	s1 =	sld [smem:$0x3FFE];
	_ =	sdelay $0x3  }
0x8a: {  	s0 =	sadd.s32 s1, s0  }
0x8b: {  	[smem:$0x3FC4] =	sst s0  }
0x8c: {  	_ = 	snop  }
0x8d: {  	s0 =	sld [smem:$0x3FC8]  }
0x8e: {  	s17 =	sld [smem:$0x3FC7]  }
0x8f: {  	s2 =	sld [smem:$0x3FC6]  }
0x90: {  	s3 =	sld [smem:$0x3FD0];
	(tm) =	ssettm $0x1  }
0x91: {  	s4 =	sld [smem:$0x3FFB];
	_ =	sdelay $0x3  }
0x92: {  	_ =	strace s4  }
0x93: {  	s4 =	sld [smem:$0x3FFC];
	_ =	sdelay $0x3  }
0x94: {  	_ =	strace s4  }
0x95: {  	s4 =	sld [smem:$0x3FFD];
	_ =	sdelay $0x3  }
0x96: {  	_ =	strace s4  }
0x97: {  	_ =	strace $0x8FFFFFFF  }
0x98: {  	s18 =	sld [smem:$0x3FDB];
	_ =	sdelay $0x1  }
0x99: {  	s5 =	simm.s32 $_scs_section_size  }
0x9a: {  	s6 =	simm.s32 $_size__tile_overlayer_lowered;
	s7 =	simm.s32 $_tile_overlayer_lowered  }
0x9b: {  	s21 =	simm.s32 $0x1BFF;
	s20 =	sshll.u32 s7, $0x1;
	s4 =	sadd.s32 s5, s18  }
0x9c: {  	s8 =	simm.s32 $0x0;
	s19 =	sshll.u32 s6, $0x1;
	s6 =	sadd.s32 s20, s4  }
0x9d: {  	[timem:s8], [sflag:s21] =	dma.local [hbm:s6], s19  }
0x9e: {  	_ =	swait.ge [sflag:s21], s19  }
0x9f: {  	s5 =	ssub.s32 $0x0, s19;
	[sflag:s21] =	ssyncset.done $0x0  }
0xa0: {  	[sflag:s21] =	ssyncadd.s32 s5;
	_ =	sdelay $0x1  }
0xa1: {  	s22 =	simm.s32 $0x1B8B  }
0xa2: {  	_ =	swait.ge [sflag:s22], $0x1  }
0xa3: {  	[sflag:s22] =	ssyncset.done $0x0  }
0xa4: {  	s23 =	simm.s32 $0x1B8E;
	[sflag:s22] =	ssyncadd.s32 $0xFFFFFFFF  }
0xa5: {  	s24 =	simm.s32 $execute0_lowered;
	[smem:$0x3FD2] =	sst s23  }
0xa6: {  	s5 =	sshll.u32 s24, $0x1;
	_ =	strace $0x80000046;
	[dreg:$0x1] =	wrdreg $0xFFFFFFFF  }
0xa7: {  	s25 =	simm.s32 $_size_execute0_lowered;
	s4 =	sadd.s32 s4, s5;
	[dreg:$0x0] =	wrdreg $0x0  }
0xa8: {  	s5 =	sshll.u32 s25, $0x1;
	[dreg:$0x2] =	wrdreg s4  }
0xa9: {  	[dreg:$0x3] =	wrdreg s5  }
0xaa: {  	[dreg:$0x4] =	wrdreg $0xC0  }
0xab: {  	_ =	task [dreg:s8], $0x5FFFF  }
0xac: {  	[dreg:$0x1] =	wrdreg $0xFFFFFFFF  }
0xad: {  	[dreg:$0x0] =	wrdreg $0x60  }
0xae: {  	[dreg:$0x2] =	wrdreg s0  }
0xaf: {  	[dreg:$0x3] =	wrdreg s17  }
0xb0: {  	[dreg:$0x4] =	wrdreg s2  }
0xb1: {  	[dreg:$0x5] =	wrdreg s3  }
0xb2: {  	[dreg:$0x6] =	wrdreg $0x9  }
0xb3: {  	_ =	task.clear_ibuf [dreg:s8], $0x7FFFF;
	_ =	strace $0x90000046  }
0xb4: {  	s26 =	simm.s32 $0x9;
	_ =	strace $0x80000048  }
0xb5: {  	_ =	swait.ge [sflag:s26], $0x1  }
0xb6: {  	[sflag:s26] =	ssyncadd.s32 $0xFFFFFFFF  }
0xb7: {  	_ =	strace $0x90000048  }
0xb8: {  	_ =	sfence  }
0xb9: {  	s28 =	sld [smem:$0x0];
	_ =	sdelay $0x1  }
0xba: {  	s29 =	srdreg.scid  }
0xbb: {  	s30 =	sshll.u32 s29, $0xD;
	s31 =	sshrl.u32 s29, $0x2  }
0xbc: {  	s1 =	sand.u32 $0x1, s29;
	s2 =	sand.u32 $0x4000, s30;
	s0 =	sadd.s32 s31, s28  }
0xbd: {  	s1 =	sor.u32 s2, s1;
	s0 =	sshll.u32 s0, $0x11  }
0xbe: {  	s0 =	sor.u32 s0, s1  }
0xbf: {  	s0 =	sadd.s32 $0x8F2B, s0  }
0xc0: {  	[sflag:s0] =	ssyncadd.remote.s32 $0x1  }
0xc1: {  	_ =	sfence.sel $0xFFFF  }
0xc2: {  	[dreg:$0x0] =	wrdreg $0xFFFFFFFF;
	(pc) =	sbr.abs _section_cstart, $3  }
0xc3: {  	[dreg:$0x1] =	wrdreg $0xFFFFFFFF  }
0xc4: {  	_ =	task.clear_ibuf [dreg:s8], $0x2FFFF;
	_ =	strace $0x9FFFFFFF  }
0xc5: {  	(tm) =	ssettm $0x7FFFFFFF  }
tec
execute0_lowered:
.L_overlay_start_1:
0x0: {  	(tag) =	ssettag $0x1  }
0x1: {  	s5 =	rddreg [dreg:$0x0]  }
0x2: {  	s6 =	rddreg [dreg:$0x1]  }
0x3: {  	s7 =	rddreg [dreg:$0x2]  }
0x4: {  	s3 =	rddreg [dreg:$0x3]  }
0x5: {  	s1 =	stileid.u32;
	s0 =	rddreg [dreg:$0x4]  }
0x6: {  	s2 =	simm.s32 $0x0;
	s20 =	simm.s32 $0x80;
	s11 =	simm.s32 $0x100  }
0x7: {  	s8 =	sshll.u32 s1, $0x4;
	s4 =	sshrl.u32 s1, $0x3;
	[smem:$0x7FF] =	sst s2  }
0x8: {  	s19 =	sshll.u32 s1, $0x7;
	s9 =	sand.u32 $0x10, s8;
	s10 =	sshll.u32 s4, $0x7  }
0x9: {  	_ =	strace $0x80000047;
	s8 =	sand.u32 $0x30, s8;
	s21 =	sshll.u32 s4, $0xC  }
0xa: {  	s22 =	sand.u32 $0x380, s19;
	s23 =	sshll.u32 s4, $0x8;
	s5 =	sadd.s32 s5, s9  }
0xb: {  	s6 =	sadd.s32 s6, s8;
	s24 =	sor.u32 s22, s21;
	s5 =	sadd.s32 s10, s5  }
0xc: {  	[tilespmem:s2], [sflag:$0x1] =	stream.strided.gather [hbm4b:s5+s20], $0x200, s11, s20, $0x38;
	[tilespmem:$0x800] =	vst v63  }
0xd: {  	s25 =	simm.s32 $0x200;
	s6 =	sadd.s32 s23, s6;
	s8 =	sshrl.u32 s24, $0x3  }
0xe: {  	[tilespmem:s25], [sflag:$0x1] =	stream.strided.gather [hbm4b:s6+s20], $0x200, s25, s20, $0x38;
	[tilespmem:$0x800] =	vst v63  }
0xf: {  	s28 =	simm.s32 $0x400;
	s29 =	simm.s32 $0x1;
	s26 =	sadd.s32 s7, s8  }
0x10: {  	[tilespmem:s28], [sflag:$0x1] =	stream.strided.gather [hbm4b:s26+s20], $0x200, s28, s20, $0x38;
	[tilespmem:$0x800] =	vst v63  }
0x11: {  	_ =	swait.ge [sflag:s29], $0x200  }
0x12: {  	[sflag:s29] =	ssyncset.done $0x0  }
0x13: {  	[sflag:s29] =	ssyncadd.s32 $0xFFFFFE00  }
0x14: {  	_ =	swait.ge [sflag:s29], $0x200  }
0x15: {  	[sflag:s29] =	ssyncset.done $0x0  }
0x16: {  	[sflag:s29] =	ssyncadd.s32 $0xFFFFFE00  }
0x17: {  	_ =	swait.ge [sflag:s29], $0x200  }
0x18: {  	[sflag:s29] =	ssyncset.done $0x0  }
0x19: {  	[sflag:s29] =	ssyncadd.s32 $0xFFFFFE00  }
0x1a: {  	v0 =	vld [tilespmem:$0x0]  }
0x1b: {  	v1 =	vld [tilespmem:$0x200]  }
0x1c: {  	v2 =	vld [tilespmem:$0x400]  }
0x1d: {  	v3 =	vld [tilespmem:$0x10]  }
0x1e: {  	v4 =	vld [tilespmem:$0x210]  }
0x1f: {  	v5 =	vld [tilespmem:$0x410]  }
0x20: {  	v6 =	vld [tilespmem:$0x20]  }
0x21: {  	v7 =	vld [tilespmem:$0x220]  }
0x22: {  	v8 =	vld [tilespmem:$0x420]  }
0x23: {  	v9 =	vld [tilespmem:$0x30]  }
0x24: {  	v10 =	vld [tilespmem:$0x230]  }
0x25: {  	v11 =	vld [tilespmem:$0x430]  }
0x26: {  	v12 =	vld [tilespmem:$0x40]  }
0x27: {  	v13 =	vld [tilespmem:$0x240]  }
0x28: {  	v14 =	vld [tilespmem:$0x440]  }
0x29: {  	v15 =	vld [tilespmem:$0x50]  }
0x2a: {  	v16 =	vld [tilespmem:$0x250]  }
0x2b: {  	v17 =	vld [tilespmem:$0x450]  }
0x2c: {  	v18 =	vld [tilespmem:$0x60]  }
0x2d: {  	v19 =	vld [tilespmem:$0x260]  }
0x2e: {  	v20 =	vld [tilespmem:$0x460]  }
0x2f: {  	v21 =	vld [tilespmem:$0x70]  }
0x30: {  	v22 =	vld [tilespmem:$0x270]  }
0x31: {  	v23 =	vld [tilespmem:$0x470]  }
0x32: {  	v24 =	vld [tilespmem:$0x80]  }
0x33: {  	v25 =	vld [tilespmem:$0x280]  }
0x34: {  	v26 =	vld [tilespmem:$0x480]  }
0x35: {  	v27 =	vld [tilespmem:$0x90]  }
0x36: {  	v28 =	vld [tilespmem:$0x290]  }
0x37: {  	v29 =	vld [tilespmem:$0x490]  }
0x38: {  	v30 =	vld [tilespmem:$0xA0]  }
0x39: {  	v31 =	vld [tilespmem:$0x2A0]  }
0x3a: {  	v32 =	vld [tilespmem:$0x4A0]  }
0x3b: {  	v33 =	vld [tilespmem:$0xB0]  }
0x3c: {  	v34 =	vld [tilespmem:$0x2B0]  }
0x3d: {  	v35 =	vld [tilespmem:$0x4B0]  }
0x3e: {  	v36 =	vld [tilespmem:$0xC0]  }
0x3f: {  	v37 =	vld [tilespmem:$0x2C0]  }
0x40: {  	v38 =	vld [tilespmem:$0x4C0]  }
0x41: {  	v39 =	vld [tilespmem:$0xD0]  }
0x42: {  	v40 =	vld [tilespmem:$0x2D0]  }
0x43: {  	v41 =	vld [tilespmem:$0x4D0]  }
0x44: {  	v42 =	vld [tilespmem:$0xE0]  }
0x45: {  	v43 =	vld [tilespmem:$0x2E0]  }
0x46: {  	v44 =	vld [tilespmem:$0x4E0]  }
0x47: {  	v45 =	vld [tilespmem:$0xF0]  }
0x48: {  	v46 =	vld [tilespmem:$0x2F0]  }
0x49: {  	v47 =	vld [tilespmem:$0x4F0]  }
0x4a: {  	v48 =	vld [tilespmem:$0x100]  }
0x4b: {  	v49 =	vld [tilespmem:$0x300]  }
0x4c: {  	v53 =	vld [tilespmem:$0x500]  }
0x4d: {  	v51 =	vld [tilespmem:$0x110]  }
0x4e: {  	v52 =	vld [tilespmem:$0x310]  }
0x4f: {  	v56 =	vld [tilespmem:$0x510]  }
0x50: {  	v54 =	vld [tilespmem:$0x120]  }
0x51: {  	v55 =	vld [tilespmem:$0x320]  }
0x52: {  	v62 =	vld [tilespmem:$0x520]  }
0x53: {  	v57 =	vld [tilespmem:$0x130]  }
0x54: {  	v58 =	vld [tilespmem:$0x330]  }
0x55: {  	v63 =	vld [tilespmem:$0x540]  }
0x56: {  	v50 =	vld [tilespmem:$0x530]  }
0x57: {  	v59 =	vld [tilespmem:$0x550]  }
0x58: {  	v60 =	vld [tilespmem:$0x140]  }
0x59: {  	v61 =	vld [tilespmem:$0x340]  }
0x5a: {  	[tilespmem:$0x1FFE0] =	vst v63;
	v63 =	vld [tilespmem:$0x150]  }
0x5b: {  	[tilespmem:$0x1FFD0] =	vst v50;
	v50 =	vld [tilespmem:$0x350]  }
0x5c: {  	[tilespmem:$0x1FFF0] =	vst v59;
	v59 =	vld [tilespmem:$0x160]  }
0x5d: {  	v0 =	vadd.f32 v1, v0;
	v1 =	vld [tilespmem:$0x360]  }
0x5e: {  	v3 =	vadd.f32 v4, v3;
	v4 =	vld [tilespmem:$0x560]  }
0x5f: {  	v54 =	vadd.f32 v55, v54;
	v55 =	vld [tilespmem:$0x3C0]  }
0x60: {  	v0 =	vadd.f32 v2, v0;
	v2 =	vadd.f32 v7, v6;
	v6 =	vld [tilespmem:$0x170]  }
0x61: {  	v12 =	vadd.f32 v13, v12;
	v7 =	vld [tilespmem:$0x370]  }
0x62: {  	v3 =	vadd.f32 v5, v3;
	v5 =	vadd.f32 v10, v9;
	v9 =	vld [tilespmem:$0x180]  }
0x63: {  	v15 =	vadd.f32 v16, v15;
	v10 =	vld [tilespmem:$0x380]  }
0x64: {  	v18 =	vadd.f32 v19, v18;
	v16 =	vadd.f32 v14, v12;
	v12 =	vld [tilespmem:$0x190];
	[tilespmem:$0x600] =	vst v0  }
0x65: {  	v21 =	vadd.f32 v22, v21;
	v19 =	vadd.f32 v17, v15;
	v15 =	vld [tilespmem:$0x1A0];
	[tilespmem:$0x610] =	vst v3  }
0x66: {  	v24 =	vadd.f32 v25, v24;
	v22 =	vadd.f32 v20, v18;
	v17 =	vld [tilespmem:$0x5A0];
	[tilespmem:$0x640] =	vst v16  }
0x67: {  	v27 =	vadd.f32 v28, v27;
	v25 =	vadd.f32 v23, v21;
	v18 =	vld [tilespmem:$0x1B0];
	[tilespmem:$0x650] =	vst v19  }
0x68: {  	v30 =	vadd.f32 v31, v30;
	v28 =	vadd.f32 v26, v24;
	v20 =	vld [tilespmem:$0x5B0];
	[tilespmem:$0x660] =	vst v22  }
0x69: {  	v33 =	vadd.f32 v34, v33;
	v31 =	vadd.f32 v29, v27;
	v21 =	vld [tilespmem:$0x1C0];
	[tilespmem:$0x670] =	vst v25  }
0x6a: {  	v36 =	vadd.f32 v37, v36;
	v34 =	vadd.f32 v32, v30;
	v30 =	vld [tilespmem:$0x5C0];
	[tilespmem:$0x680] =	vst v28  }
0x6b: {  	v39 =	vadd.f32 v40, v39;
	v37 =	vadd.f32 v35, v33;
	v33 =	vld [tilespmem:$0x1D0];
	[tilespmem:$0x690] =	vst v31  }
0x6c: {  	v42 =	vadd.f32 v43, v42;
	v40 =	vadd.f32 v38, v36;
	v36 =	vld [tilespmem:$0x3D0];
	[tilespmem:$0x6A0] =	vst v34  }
0x6d: {  	v45 =	vadd.f32 v46, v45;
	v43 =	vadd.f32 v41, v39;
	v38 =	vld [tilespmem:$0x5D0];
	[tilespmem:$0x6B0] =	vst v37  }
0x6e: {  	v48 =	vadd.f32 v49, v48;
	v46 =	vadd.f32 v44, v42;
	v39 =	vld [tilespmem:$0x1FFF0];
	[tilespmem:$0x6C0] =	vst v40  }
0x6f: {  	v49 =	vadd.f32 v47, v45;
	v41 =	vld [tilespmem:$0x1E0];
	[tilespmem:$0x6D0] =	vst v43  }
0x70: {  	v53 =	vadd.f32 v53, v48;
	v44 =	vld [tilespmem:$0x3E0];
	[tilespmem:$0x6E0] =	vst v46  }
0x71: {  	v52 =	vadd.f32 v52, v51;
	v0 =	vadd.f32 v8, v2;
	[tilespmem:$0x6F0] =	vst v49;
	v34 =	vld [tilespmem:$0x1FFD0]  }
0x72: {  	v29 =	vadd.f32 v58, v57;
	v13 =	vadd.f32 v11, v5;
	[tilespmem:$0x700] =	vst v53;
	v37 =	vld [tilespmem:$0x1FFE0]  }
0x73: {  	v8 =	vld [tilespmem:$0x570];
	v28 =	vadd.f32 v56, v52;
	v1 =	vadd.f32 v1, v59;
	[tilespmem:$0x620] =	vst v0  }
0x74: {  	v32 =	vadd.f32 v61, v60;
	v11 =	vld [tilespmem:$0x580];
	v31 =	vadd.f32 v62, v54;
	[tilespmem:$0x630] =	vst v13  }
0x75: {  	v47 =	vld [tilespmem:$0x1F0];
	v35 =	vadd.f32 v50, v63;
	[tilespmem:$0x710] =	vst v28;
	v42 =	vadd.f32 v4, v1  }
0x76: {  	v16 =	vld [tilespmem:$0x3A0];
	[tilespmem:$0x720] =	vst v31;
	v40 =	vadd.f32 v7, v6;
	v3 =	vadd.f32 v34, v29  }
0x77: {  	v53 =	vld [tilespmem:$0x5E0];
	v43 =	vadd.f32 v10, v9;
	v0 =	vadd.f32 v37, v32;
	[tilespmem:$0x760] =	vst v42  }
0x78: {  	v19 =	vld [tilespmem:$0x3B0];
	v55 =	vadd.f32 v55, v21;
	v45 =	vadd.f32 v8, v40;
	[tilespmem:$0x730] =	vst v3  }
0x79: {  	v50 =	vld [tilespmem:$0x3F0];
	v58 =	vadd.f32 v36, v33;
	v48 =	vadd.f32 v11, v43;
	[tilespmem:$0x740] =	vst v0  }
0x7a: {  	v13 =	vld [tilespmem:$0x390];
	v60 =	vadd.f32 v44, v41;
	v59 =	vadd.f32 v30, v55;
	[tilespmem:$0x770] =	vst v45  }
0x7b: {  	v56 =	vld [tilespmem:$0x5F0];
	v2 =	vadd.f32 v38, v58;
	[tilespmem:$0x780] =	vst v48  }
0x7c: {  	v14 =	vld [tilespmem:$0x590];
	v49 =	vadd.f32 v16, v15;
	v62 =	vadd.f32 v53, v60;
	[tilespmem:$0x7C0] =	vst v59  }
0x7d: {  	v52 =	vadd.f32 v19, v18;
	v3 =	vadd.f32 v39, v35;
	[tilespmem:$0x7D0] =	vst v2  }
0x7e: {  	v61 =	vadd.f32 v50, v47;
	v54 =	vadd.f32 v17, v49;
	[tilespmem:$0x7E0] =	vst v62  }
0x7f: {  	v46 =	vadd.f32 v13, v12;
	v57 =	vadd.f32 v20, v52;
	[tilespmem:$0x750] =	vst v3  }
0x80: {  	v63 =	vadd.f32 v56, v61;
	[tilespmem:$0x7A0] =	vst v54  }
0x81: {  	s4 =	sshll.u32 s4, $0x6;
	v51 =	vadd.f32 v14, v46;
	[tilespmem:$0x7B0] =	vst v57  }
0x82: {  	s3 =	sadd.s32 s3, s4;
	[tilespmem:$0x7F0] =	vst v63  }
0x83: {  	s30 =	simm.s32 $0x600;
	s31 =	simm.s32 $0x2;
	s3 =	sadd.s32 s22, s3;
	[tilespmem:$0x790] =	vst v51  }
0x84: {  	[hbm4b:s3+s2] =	stream.linear.scatter [tilespmem:s30], [sflag:$0x2], $0x200, $0x38;
	[tilespmem:$0x800] =	vst v63  }
0x85: {  	_ =	swait.ge [sflag:s31], $0x200  }
0x86: {  	[sflag:s31] =	ssyncset.done $0x0  }
0x87: {  	[sflag:s31] =	ssyncadd.s32 $0xFFFFFE00  }
0x88: {  	_ =	sfence.sel $0x180000  }
0x89: {  	[bflag:$0x0] =	sbarrier.arrive $0xFFFF  }
0x8a: {  	p0 =	sne.s32 s1, $0x0;
	_ =	strace $0x90000047  }
0x8b: {  	s0 =	sadd.s32 @!p0 $0x100000, s0;
	[bflag:$0x2] =	sbarrier.arrive $0xFFFF  }
0x8c: {  	[sflag:s0] =	ssyncadd.tile.s32 @!p0 $0x1;
	_ =	shalt  }
.Lfunc_end2:
_tile_overlayer_lowered:
.L_overlay_start_2:
0x8d: {  	(tag) =	ssettag $0x2  }
0x8e: {  	s0 =	rddreg [dreg:$0x0];
	s2 =	stileid.u32  }
0x8f: {  	s1 =	rddreg [dreg:$0x1];
	p0 =	sne.s32 s2, $0x0  }
0x90: {  	s3 =	rddreg [dreg:$0x2];
	[bflag:$0x3] =	sbarrier.arrive $0xFFFF;
	s2 =	simm.s32 @!p0 $0x1C02  }
0x91: {  	[timem:s3], [sflag:s2] =	dma.local @!p0 [hbm:s0], s1  }
0x92: {  	s0 =	simm.s32 @!p0 $0x2  }
0x93: {  	_ =	swait.ge @!p0 [sflag:s0], s1  }
0x94: {  	s1 =	ssub.s32 @!p0 $0x0, s1;
	[sflag:s0] =	ssyncset.done @!p0 $0x0  }
0x95: {  	[sflag:s0] =	ssyncadd.s32 @!p0 s1  }
0x96: {  	[bflag:$0x3] =	sbarrier.arrive $0xFFFF  }
0x97: {  	_ =	shalt  }

</sc_bundles>
